<compile_context>
chip_gen: v7x
topology: tpu7x:2x2x1
jax: 0.10.2.dev20260603
libtpu: 0.0.44.dev20260713+nightly
codegen_flags: <defaults>
</compile_context>

<pallas_src>
import functools

import jax
import jax.numpy as jnp
from jax import lax
from jax.experimental import pallas as pl
from jax.experimental.pallas import tpu as pltpu
from jax.experimental.pallas import tpu_sc as plsc

N = 10000
E = 320000
DF = 128
H = 64
B = 8

BLK = 2000
NBLK = N // BLK

NW = 32
EPW = E // NW
CHUNK = 80
NCH = EPW // CHUNK
NTILE = 16
STRIPE = 624
TAIL = N - NTILE * STRIPE


def _tc_feat_body(x_ref, w0_ref, a0_ref, c0_ref, feat_ref):
    h = jnp.dot(x_ref[...].astype(jnp.bfloat16),
                w0_ref[...].astype(jnp.bfloat16),
                preferred_element_type=jnp.float32)
    feat_ref[...] = jnp.maximum(h * a0_ref[...] + c0_ref[...], 0.0)


def _make_tc_feat(interpret=False):
    return pl.pallas_call(
        _tc_feat_body,
        interpret=interpret,
        grid=(NBLK,),
        in_specs=[
            pl.BlockSpec((BLK, DF), lambda i: (i, 0)),
            pl.BlockSpec((DF, H), lambda i: (0, 0)),
            pl.BlockSpec((1, H), lambda i: (0, 0)),
            pl.BlockSpec((1, H), lambda i: (0, 0)),
        ],
        out_specs=pl.BlockSpec((BLK, H), lambda i: (i, 0)),
        out_shape=jax.ShapeDtypeStruct((N, H), jnp.float32),
    )


def _tc_head_body(feat_ref, batch_ref, l0_ref, l0b_ref, np0_ref, wsi_ref):
    i = pl.program_id(0)
    np0 = jnp.dot(feat_ref[...].astype(jnp.bfloat16),
                  l0_ref[...].astype(jnp.bfloat16),
                  preferred_element_type=jnp.float32) + l0b_ref[0, 0]
    np0_ref[...] = np0
    seg = lax.broadcasted_iota(jnp.int32, (BLK, B), 1)
    vals = jnp.where(batch_ref[...] == seg, np0, -jnp.inf)
    m8 = jnp.max(vals, axis=0).reshape(1, B)
    prev = jnp.where(i == 0, jnp.full((1, B), -jnp.inf), wsi_ref[...])
    wsi_ref[...] = jnp.maximum(prev, m8)


def _make_tc_head(interpret=False):
    return pl.pallas_call(
        _tc_head_body,
        interpret=interpret,
        grid=(NBLK,),
        in_specs=[
            pl.BlockSpec((BLK, H), lambda i: (i, 0)),
            pl.BlockSpec((BLK, 1), lambda i: (i, 0)),
            pl.BlockSpec((H, 1), lambda i: (0, 0)),
            pl.BlockSpec(memory_space=pltpu.SMEM),
        ],
        out_specs=[
            pl.BlockSpec((BLK, 1), lambda i: (i, 0)),
            pl.BlockSpec((1, B), lambda i: (0, 0)),
        ],
        out_shape=[
            jax.ShapeDtypeStruct((N, 1), jnp.float32),
            jax.ShapeDtypeStruct((1, B), jnp.float32),
        ],
    )


def _tc2_body(feat_ref, agg_ref, batch_ref, np0_ref, wsi0_ref, w1_ref,
              a1_ref, c1_ref, l1_ref, l1b_ref, np_ref, wsi_ref):
    i = pl.program_id(0)
    h = feat_ref[...] + agg_ref[0] + agg_ref[1]
    z = jnp.dot(h.astype(jnp.bfloat16), w1_ref[...].astype(jnp.bfloat16),
                preferred_element_type=jnp.float32)
    feat2 = jnp.maximum(z * a1_ref[...] + c1_ref[...], 0.0)
    np1 = jnp.dot(feat2.astype(jnp.bfloat16), l1_ref[...].astype(jnp.bfloat16),
                  preferred_element_type=jnp.float32) + l1b_ref[0, 0]
    np_ref[...] = np0_ref[...] + np1
    seg = lax.broadcasted_iota(jnp.int32, (BLK, B), 1)
    vals = jnp.where(batch_ref[...] == seg, np1, -jnp.inf)
    m8 = jnp.max(vals, axis=0).reshape(1, B)
    prev = jnp.where(i == 0, jnp.full((1, B), -jnp.inf), wsi_ref[...])
    acc = jnp.maximum(prev, m8)
    wsi_ref[...] = acc

    @pl.when(i == NBLK - 1)
    def _():
        wsi_ref[...] = acc + wsi0_ref[...]


def _make_tc2(interpret=False):
    return pl.pallas_call(
        _tc2_body,
        interpret=interpret,
        grid=(NBLK,),
    in_specs=[
        pl.BlockSpec((BLK, H), lambda i: (i, 0)),
        pl.BlockSpec((2, BLK, H), lambda i: (0, i, 0)),
        pl.BlockSpec((BLK, 1), lambda i: (i, 0)),
        pl.BlockSpec((BLK, 1), lambda i: (i, 0)),
        pl.BlockSpec((1, B), lambda i: (0, 0)),
        pl.BlockSpec((H, H), lambda i: (0, 0)),
        pl.BlockSpec((1, H), lambda i: (0, 0)),
        pl.BlockSpec((1, H), lambda i: (0, 0)),
        pl.BlockSpec((H, 1), lambda i: (0, 0)),
        pl.BlockSpec(memory_space=pltpu.SMEM),
    ],
    out_specs=[
        pl.BlockSpec((BLK, 1), lambda i: (i, 0)),
        pl.BlockSpec((1, B), lambda i: (0, 0)),
    ],
    out_shape=[
        jax.ShapeDtypeStruct((N, 1), jnp.float32),
        jax.ShapeDtypeStruct((1, B), jnp.float32),
    ],
    )


_tc_feat = _make_tc_feat()
_tc_head = _make_tc_head()
_tc2 = _make_tc2()


def _sc_body(feat_hbm, src_hbm, dst_hbm, zer_hbm, out_hbm,
             src_v, dst_v, rows_a, rows_b, zbuf, agg_sh, sem_a, sem_b):
    cid = lax.axis_index("c")
    sid = lax.axis_index("s")
    wid = sid * 2 + cid

    pltpu.sync_copy(zer_hbm, zbuf)
    pltpu.sync_copy(zbuf, agg_sh.at[pl.ds(sid * STRIPE, STRIPE)])

    @pl.when(sid == 0)
    def _():
        pltpu.sync_copy(zbuf.at[pl.ds(0, TAIL)],
                        agg_sh.at[pl.ds(NTILE * STRIPE, TAIL)])

    plsc.subcore_barrier()

    pltpu.sync_copy(src_hbm.at[wid], src_v)
    pltpu.sync_copy(dst_hbm.at[wid], dst_v)

    bufs = ((rows_a, sem_a), (rows_b, sem_b))
    pltpu.async_copy(feat_hbm.at[src_v.at[0]], rows_a, sem_a)

    def step2(k, _):
        for b in range(2):
            c = 2 * k + b
            cur_rows, cur_sem = bufs[b]
            nxt_rows, nxt_sem = bufs[1 - b]
            pltpu.make_async_copy(feat_hbm.at[src_v.at[c]], cur_rows,
                                  cur_sem).wait()

            @pl.when(c + 1 < NCH)
            def _():
                pltpu.async_copy(feat_hbm.at[src_v.at[c + 1]], nxt_rows,
                                 nxt_sem)

            pltpu.sync_copy(cur_rows, agg_sh.at[dst_v.at[c]], add=True)
        return 0

    lax.fori_loop(0, NCH // 2, step2, 0)
    if NCH % 2:
        c = NCH - 1
        cur_rows, cur_sem = bufs[c % 2]
        pltpu.make_async_copy(feat_hbm.at[src_v.at[c]], cur_rows,
                              cur_sem).wait()
        pltpu.sync_copy(cur_rows, agg_sh.at[dst_v.at[c]], add=True)
    plsc.subcore_barrier()

    pltpu.sync_copy(agg_sh.at[pl.ds(sid * STRIPE, STRIPE)], zbuf)
    pltpu.sync_copy(zbuf, out_hbm.at[cid, pl.ds(sid * STRIPE, STRIPE)])

    @pl.when(sid == 0)
    def _():
        pltpu.sync_copy(agg_sh.at[pl.ds(NTILE * STRIPE, TAIL)],
                        zbuf.at[pl.ds(0, TAIL)])
        pltpu.sync_copy(zbuf.at[pl.ds(0, TAIL)],
                        out_hbm.at[cid, pl.ds(NTILE * STRIPE, TAIL)])


@functools.lru_cache(maxsize=1)
def _sc_seg_sum():
    return pl.kernel(
        _sc_body,
        out_type=jax.ShapeDtypeStruct((2, N, H), jnp.float32),
        mesh=plsc.VectorSubcoreMesh(core_axis_name="c", subcore_axis_name="s"),
        scratch_types=[
            pltpu.VMEM((NCH, CHUNK), jnp.int32),
            pltpu.VMEM((NCH, CHUNK), jnp.int32),
            pltpu.VMEM((CHUNK, H), jnp.float32),
            pltpu.VMEM((CHUNK, H), jnp.float32),
            pltpu.VMEM((STRIPE, H), jnp.float32),
            pltpu.VMEM_SHARED((N, H), jnp.float32),
            pltpu.SemaphoreType.DMA,
            pltpu.SemaphoreType.DMA,
        ],
        compiler_params=pltpu.CompilerParams(use_tc_tiling_on_sc=False),
    )


def kernel(x, edge_index, batch, W0, b0, g0, be0, L0W, L0b, W1, b1, g1, be1,
           L1W, L1b):
    s = jnp.float32(1.0) / jnp.sqrt(jnp.float32(1.0 + 1e-5))
    a0 = (g0 * s).reshape(1, H)
    c0 = (be0 + b0 * g0 * s).reshape(1, H)
    a1 = (g1 * s).reshape(1, H)
    c1 = (be1 + b1 * g1 * s).reshape(1, H)
    l0 = L0W
    l1 = L1W
    l0b = L0b.reshape(1, 1)
    l1b = L1b.reshape(1, 1)
    batch2 = batch.reshape(N, 1)

    feat = _tc_feat(x, W0, a0, c0)
    np0, wsi0 = _tc_head(feat, batch2, l0, l0b)

    srcr = edge_index[0].reshape(NW, NCH, CHUNK)
    dstr = edge_index[1].reshape(NW, NCH, CHUNK)
    zer = jnp.zeros((STRIPE, H), jnp.float32)
    agg2 = _sc_seg_sum()(feat, srcr, dstr, zer)

    npred, wsi = _tc2(feat, agg2, batch2, np0, wsi0, W1, a1, c1, l1, l1b)
    return (wsi.reshape(B, 1), npred)

# --- scband reference (transcript-rebuilt; emitter-appended) ---
"""Pipeline reference for scband-slide-graph-arch-7610682048891 (READ-ONLY COPY).

The authoritative reference and input builder live on the scoring server;
editing this copy changes nothing except your own understanding.
"""

import jax, jax.numpy as jnp
import numpy as np

N = 10000
E = 320000
D_FEAT = 128
H = 64
T = 1
B = 8


def _bn_eval(h, gamma, beta):
    # BatchNorm1d in eval mode with default running stats (mean=0, var=1)
    return (h / jnp.sqrt(1.0 + 1e-5)) * gamma + beta


def setup_inputs(seed: int = 0) -> dict:
    key = jax.random.key(seed)
    ks = jax.random.split(key, 16)
    x = jax.random.normal(ks[0], (N, D_FEAT), dtype=jnp.float32)
    edge_index = jax.random.randint(ks[1], (2, E), 0, N, dtype=jnp.int32)
    batch = jnp.sort(jax.random.randint(ks[2], (N,), 0, B, dtype=jnp.int32))
    # first_h: Linear(128, 64) + BN(64) + ReLU
    W0 = jax.random.normal(ks[3], (D_FEAT, H), dtype=jnp.float32) * 0.05
    b0 = jnp.zeros((H,), dtype=jnp.float32)
    g0 = jnp.ones((H,), dtype=jnp.float32)
    be0 = jnp.zeros((H,), dtype=jnp.float32)
    # linears[0]: Linear(64, 1)
    L0W = jax.random.normal(ks[4], (H, T), dtype=jnp.float32) * 0.05
    L0b = jnp.zeros((T,), dtype=jnp.float32)
    # GINConv nn: Linear(64, 64) + BN(64) + ReLU
    W1 = jax.random.normal(ks[5], (H, H), dtype=jnp.float32) * 0.05
    b1 = jnp.zeros((H,), dtype=jnp.float32)
    g1 = jnp.ones((H,), dtype=jnp.float32)
    be1 = jnp.zeros((H,), dtype=jnp.float32)
    # linears[1]: Linear(64, 1)
    L1W = jax.random.normal(ks[6], (H, T), dtype=jnp.float32) * 0.05
    L1b = jnp.zeros((T,), dtype=jnp.float32)
    return {
        "x": x, "edge_index": edge_index, "batch": batch,
        "W0": W0, "b0": b0, "g0": g0, "be0": be0,
        "L0W": L0W, "L0b": L0b,
        "W1": W1, "b1": b1, "g1": g1, "be1": be1,
        "L1W": L1W, "L1b": L1b,
    }


def reference(x, edge_index, batch, W0, b0, g0, be0, L0W, L0b, W1, b1, g1, be1, L1W, L1b):
    # Layer 0: first_h + node linear head + global max pool (dropout p=0.0 is a no-op)
    feat = jnp.maximum(_bn_eval(x @ W0 + b0, g0, be0), 0.0)
    np0 = feat @ L0W + L0b
    node_prediction = np0
    wsi_prediction = jax.ops.segment_max(np0, batch, num_segments=B)
    # Layer 1: GINConv (eps=0): nn((1+eps)*x_i + sum_{j in N(i)} x_j)
    src = edge_index[0]
    dst = edge_index[1]
    agg = jax.ops.segment_sum(jnp.take(feat, src, axis=0), dst, num_segments=N)
    h = feat + agg
    feat = jnp.maximum(_bn_eval(h @ W1 + b1, g1, be1), 0.0)
    np1 = feat @ L1W + L1b
    node_prediction = node_prediction + np1
    wsi_prediction = wsi_prediction + jax.ops.segment_max(np1, batch, num_segments=B)
    return (wsi_prediction, node_prediction)

if __name__ == "__main__":
    import jax
    _d = setup_inputs()
    print(jax.jit(kernel)(*tuple(_d.values())))

</pallas_src>

<mosaic_0001>
#map = affine_map<(d0, d1) -> (0, 0)>
#map1 = affine_map<(d0, d1) -> (0, 0, 0)>
module attributes {stable_mosaic.version = 14 : i64} {
  func.func @_sc_body(%arg0: i32, %arg1: i32, %arg2: memref<10000x64xf32, #tpu.memory_space<hbm>>, %arg3: memref<32x125x80xi32, #tpu.memory_space<hbm>>, %arg4: memref<32x125x80xi32, #tpu.memory_space<hbm>>, %arg5: memref<624x64xf32, #tpu.memory_space<hbm>>, %arg6: memref<2x10000x64xf32, #tpu.memory_space<hbm>>, %arg7: memref<125x80xi32, #tpu.memory_space<vmem>>, %arg8: memref<125x80xi32, #tpu.memory_space<vmem>>, %arg9: memref<80x64xf32, #tpu.memory_space<vmem>>, %arg10: memref<80x64xf32, #tpu.memory_space<vmem>>, %arg11: memref<624x64xf32, #tpu.memory_space<vmem>>, %arg12: memref<10000x64xf32, #tpu.memory_space<vmem_shared>>, %arg13: memref<!tpu.dma_semaphore, #tpu.memory_space<semaphore_mem>>, %arg14: memref<!tpu.dma_semaphore, #tpu.memory_space<semaphore_mem>>) attributes {dimension_semantics = [#tpu.dimension_semantics<core_parallel>, #tpu.dimension_semantics<subcore_parallel>], iteration_bounds = array<i64: 2, 16>, scalar_prefetch = 0 : i64, scratch_operands = 8 : i64, tpu.core_type = #tpu.core_type<sc_vector_subcore>, window_params = [{transform_indices = #map}, {transform_indices = #map1}, {transform_indices = #map1}, {transform_indices = #map}, {transform_indices = #map1}]} {
    %mul3A = arith.constant 2 : i32
    %mul3A_0 = arith.muli %arg1, %mul3A : i32
    %add3A = arith.addi %mul3A_0, %arg0 : i32
    "tpu.region"() ({
      %run_scoped3A_33 = tpu.sem_alloc : memref<!tpu.dma_semaphore, #tpu.memory_space<semaphore_mem>>
      tpu.enqueue_dma source(%arg5 : memref<624x64xf32, #tpu.memory_space<hbm>>) target(%arg11 : memref<624x64xf32, #tpu.memory_space<vmem>>) target_semaphore(%run_scoped3A_33 : memref<!tpu.dma_semaphore, #tpu.memory_space<semaphore_mem>>)
      tpu.wait_dma2 semaphore(%run_scoped3A_33 : memref<!tpu.dma_semaphore, #tpu.memory_space<semaphore_mem>>) src(%arg5 : memref<624x64xf32, #tpu.memory_space<hbm>>) dst(%arg11 : memref<624x64xf32, #tpu.memory_space<vmem>>)
      tpu.yield
    }) : () -> ()
    %mul3A_1 = arith.constant 624 : i32
    %mul3A_2 = arith.muli %arg1, %mul3A_1 : i32
    "tpu.region"() ({
      %run_scoped3A_33 = tpu.sem_alloc : memref<!tpu.dma_semaphore, #tpu.memory_space<semaphore_mem>>
      %dma_start3A_34 = arith.constant 0 : i32
      %dma_start3A_35 = tpu.memref_slice %arg12[%mul3A_2, %dma_start3A_34] : memref<10000x64xf32, #tpu.memory_space<vmem_shared>> -> memref<624x64xf32, #tpu.memory_space<vmem_shared>>
      %dma_start3A_36 = arith.constant 0 : i32
      %dma_start3A_37 = tpu.memref_slice %arg12[%mul3A_2, %dma_start3A_36] : memref<10000x64xf32, #tpu.memory_space<vmem_shared>> -> memref<624x64xf32, #tpu.memory_space<vmem_shared>>
      tpu.enqueue_dma source(%arg11 : memref<624x64xf32, #tpu.memory_space<vmem>>) target(%dma_start3A_37 : memref<624x64xf32, #tpu.memory_space<vmem_shared>>) target_semaphore(%run_scoped3A_33 : memref<!tpu.dma_semaphore, #tpu.memory_space<semaphore_mem>>)
      %dma_wait3A_38 = arith.constant 0 : i32
      %dma_wait3A_39 = tpu.memref_slice %arg12[%mul3A_2, %dma_wait3A_38] : memref<10000x64xf32, #tpu.memory_space<vmem_shared>> -> memref<624x64xf32, #tpu.memory_space<vmem_shared>>
      %dma_wait3A_40 = arith.constant 0 : i32
      %dma_wait3A_41 = tpu.memref_slice %arg12[%mul3A_2, %dma_wait3A_40] : memref<10000x64xf32, #tpu.memory_space<vmem_shared>> -> memref<624x64xf32, #tpu.memory_space<vmem_shared>>
      tpu.wait_dma2 semaphore(%run_scoped3A_33 : memref<!tpu.dma_semaphore, #tpu.memory_space<semaphore_mem>>) src(%arg11 : memref<624x64xf32, #tpu.memory_space<vmem>>) dst(%dma_wait3A_41 : memref<624x64xf32, #tpu.memory_space<vmem_shared>>)
      tpu.yield
    }) : () -> ()
    %eq3A = arith.constant 0 : i32
    %eq3A_3 = arith.cmpi eq, %arg1, %eq3A : i32
    %convert_element_type3A = arith.extui %eq3A_3 : i1 to i32
    %cond3A = arith.constant 0 : i32
    %cond3A_4 = arith.cmpi ne, %convert_element_type3A, %cond3A : i32
    scf.if %cond3A_4 {
      "tpu.region"() ({
        %run_scoped3A_33 = tpu.sem_alloc : memref<!tpu.dma_semaphore, #tpu.memory_space<semaphore_mem>>
        %dma_start3A_34 = arith.constant 0 : i32
        %dma_start3A_35 = arith.constant 0 : i32
        %dma_start3A_36 = tpu.memref_slice %arg11[%dma_start3A_34, %dma_start3A_35] : memref<624x64xf32, #tpu.memory_space<vmem>> -> memref<16x64xf32, #tpu.memory_space<vmem>>
        %dma_start3A_37 = arith.constant 9984 : i32
        %dma_start3A_38 = arith.constant 0 : i32
        %dma_start3A_39 = tpu.memref_slice %arg12[%dma_start3A_37, %dma_start3A_38] : memref<10000x64xf32, #tpu.memory_space<vmem_shared>> -> memref<16x64xf32, #tpu.memory_space<vmem_shared>>
        %dma_start3A_40 = arith.constant 9984 : i32
        %dma_start3A_41 = arith.constant 0 : i32
        %dma_start3A_42 = tpu.memref_slice %arg12[%dma_start3A_40, %dma_start3A_41] : memref<10000x64xf32, #tpu.memory_space<vmem_shared>> -> memref<16x64xf32, #tpu.memory_space<vmem_shared>>
        %dma_start3A_43 = arith.constant 0 : i32
        %dma_start3A_44 = arith.constant 0 : i32
        %dma_start3A_45 = tpu.memref_slice %arg11[%dma_start3A_43, %dma_start3A_44] : memref<624x64xf32, #tpu.memory_space<vmem>> -> memref<16x64xf32, #tpu.memory_space<vmem>>
        tpu.enqueue_dma source(%dma_start3A_45 : memref<16x64xf32, #tpu.memory_space<vmem>>) target(%dma_start3A_42 : memref<16x64xf32, #tpu.memory_space<vmem_shared>>) target_semaphore(%run_scoped3A_33 : memref<!tpu.dma_semaphore, #tpu.memory_space<semaphore_mem>>)
        %dma_wait3A_46 = arith.constant 0 : i32
        %dma_wait3A_47 = arith.constant 0 : i32
        %dma_wait3A_48 = tpu.memref_slice %arg11[%dma_wait3A_46, %dma_wait3A_47] : memref<624x64xf32, #tpu.memory_space<vmem>> -> memref<16x64xf32, #tpu.memory_space<vmem>>
        %dma_wait3A_49 = arith.constant 9984 : i32
        %dma_wait3A_50 = arith.constant 0 : i32
        %dma_wait3A_51 = tpu.memref_slice %arg12[%dma_wait3A_49, %dma_wait3A_50] : memref<10000x64xf32, #tpu.memory_space<vmem_shared>> -> memref<16x64xf32, #tpu.memory_space<vmem_shared>>
        %dma_wait3A_52 = arith.constant 9984 : i32
        %dma_wait3A_53 = arith.constant 0 : i32
        %dma_wait3A_54 = tpu.memref_slice %arg12[%dma_wait3A_52, %dma_wait3A_53] : memref<10000x64xf32, #tpu.memory_space<vmem_shared>> -> memref<16x64xf32, #tpu.memory_space<vmem_shared>>
        %dma_wait3A_55 = arith.constant 0 : i32
        %dma_wait3A_56 = arith.constant 0 : i32
        %dma_wait3A_57 = tpu.memref_slice %arg11[%dma_wait3A_55, %dma_wait3A_56] : memref<624x64xf32, #tpu.memory_space<vmem>> -> memref<16x64xf32, #tpu.memory_space<vmem>>
        tpu.wait_dma2 semaphore(%run_scoped3A_33 : memref<!tpu.dma_semaphore, #tpu.memory_space<semaphore_mem>>) src(%dma_wait3A_57 : memref<16x64xf32, #tpu.memory_space<vmem>>) dst(%dma_wait3A_54 : memref<16x64xf32, #tpu.memory_space<vmem_shared>>)
        tpu.yield
      }) : () -> ()
    } else {
    }
    %barrier3A = arith.constant 0 : index
    tpu.barrier barrier_id(%barrier3A)
    "tpu.region"() ({
      %run_scoped3A_33 = tpu.sem_alloc : memref<!tpu.dma_semaphore, #tpu.memory_space<semaphore_mem>>
      %dma_start3A_34 = arith.constant 0 : i32
      %dma_start3A_35 = arith.constant 0 : i32
      %dma_start3A_36 = tpu.memref_slice %arg3[%add3A, %dma_start3A_34, %dma_start3A_35] : memref<32x125x80xi32, #tpu.memory_space<hbm>> -> memref<1x125x80xi32, #tpu.memory_space<hbm>>
      %dma_start3A_37 = tpu.memref_squeeze %dma_start3A_36 : memref<1x125x80xi32, #tpu.memory_space<hbm>> -> memref<125x80xi32, #tpu.memory_space<hbm>>
      %dma_start3A_38 = arith.constant 0 : i32
      %dma_start3A_39 = arith.constant 0 : i32
      %dma_start3A_40 = tpu.memref_slice %arg3[%add3A, %dma_start3A_38, %dma_start3A_39] : memref<32x125x80xi32, #tpu.memory_space<hbm>> -> memref<1x125x80xi32, #tpu.memory_space<hbm>>
      %dma_start3A_41 = tpu.memref_squeeze %dma_start3A_40 : memref<1x125x80xi32, #tpu.memory_space<hbm>> -> memref<125x80xi32, #tpu.memory_space<hbm>>
      tpu.enqueue_dma source(%dma_start3A_41 : memref<125x80xi32, #tpu.memory_space<hbm>>) target(%arg7 : memref<125x80xi32, #tpu.memory_space<vmem>>) target_semaphore(%run_scoped3A_33 : memref<!tpu.dma_semaphore, #tpu.memory_space<semaphore_mem>>)
      %dma_wait3A_42 = arith.constant 0 : i32
      %dma_wait3A_43 = arith.constant 0 : i32
      %dma_wait3A_44 = tpu.memref_slice %arg3[%add3A, %dma_wait3A_42, %dma_wait3A_43] : memref<32x125x80xi32, #tpu.memory_space<hbm>> -> memref<1x125x80xi32, #tpu.memory_space<hbm>>
      %dma_wait3A_45 = tpu.memref_squeeze %dma_wait3A_44 : memref<1x125x80xi32, #tpu.memory_space<hbm>> -> memref<125x80xi32, #tpu.memory_space<hbm>>
      %dma_wait3A_46 = arith.constant 0 : i32
      %dma_wait3A_47 = arith.constant 0 : i32
      %dma_wait3A_48 = tpu.memref_slice %arg3[%add3A, %dma_wait3A_46, %dma_wait3A_47] : memref<32x125x80xi32, #tpu.memory_space<hbm>> -> memref<1x125x80xi32, #tpu.memory_space<hbm>>
      %dma_wait3A_49 = tpu.memref_squeeze %dma_wait3A_48 : memref<1x125x80xi32, #tpu.memory_space<hbm>> -> memref<125x80xi32, #tpu.memory_space<hbm>>
      tpu.wait_dma2 semaphore(%run_scoped3A_33 : memref<!tpu.dma_semaphore, #tpu.memory_space<semaphore_mem>>) src(%dma_wait3A_49 : memref<125x80xi32, #tpu.memory_space<hbm>>) dst(%arg7 : memref<125x80xi32, #tpu.memory_space<vmem>>)
      tpu.yield
    }) : () -> ()
    "tpu.region"() ({
      %run_scoped3A_33 = tpu.sem_alloc : memref<!tpu.dma_semaphore, #tpu.memory_space<semaphore_mem>>
      %dma_start3A_34 = arith.constant 0 : i32
      %dma_start3A_35 = arith.constant 0 : i32
      %dma_start3A_36 = tpu.memref_slice %arg4[%add3A, %dma_start3A_34, %dma_start3A_35] : memref<32x125x80xi32, #tpu.memory_space<hbm>> -> memref<1x125x80xi32, #tpu.memory_space<hbm>>
      %dma_start3A_37 = tpu.memref_squeeze %dma_start3A_36 : memref<1x125x80xi32, #tpu.memory_space<hbm>> -> memref<125x80xi32, #tpu.memory_space<hbm>>
      %dma_start3A_38 = arith.constant 0 : i32
      %dma_start3A_39 = arith.constant 0 : i32
      %dma_start3A_40 = tpu.memref_slice %arg4[%add3A, %dma_start3A_38, %dma_start3A_39] : memref<32x125x80xi32, #tpu.memory_space<hbm>> -> memref<1x125x80xi32, #tpu.memory_space<hbm>>
      %dma_start3A_41 = tpu.memref_squeeze %dma_start3A_40 : memref<1x125x80xi32, #tpu.memory_space<hbm>> -> memref<125x80xi32, #tpu.memory_space<hbm>>
      tpu.enqueue_dma source(%dma_start3A_41 : memref<125x80xi32, #tpu.memory_space<hbm>>) target(%arg8 : memref<125x80xi32, #tpu.memory_space<vmem>>) target_semaphore(%run_scoped3A_33 : memref<!tpu.dma_semaphore, #tpu.memory_space<semaphore_mem>>)
      %dma_wait3A_42 = arith.constant 0 : i32
      %dma_wait3A_43 = arith.constant 0 : i32
      %dma_wait3A_44 = tpu.memref_slice %arg4[%add3A, %dma_wait3A_42, %dma_wait3A_43] : memref<32x125x80xi32, #tpu.memory_space<hbm>> -> memref<1x125x80xi32, #tpu.memory_space<hbm>>
      %dma_wait3A_45 = tpu.memref_squeeze %dma_wait3A_44 : memref<1x125x80xi32, #tpu.memory_space<hbm>> -> memref<125x80xi32, #tpu.memory_space<hbm>>
      %dma_wait3A_46 = arith.constant 0 : i32
      %dma_wait3A_47 = arith.constant 0 : i32
      %dma_wait3A_48 = tpu.memref_slice %arg4[%add3A, %dma_wait3A_46, %dma_wait3A_47] : memref<32x125x80xi32, #tpu.memory_space<hbm>> -> memref<1x125x80xi32, #tpu.memory_space<hbm>>
      %dma_wait3A_49 = tpu.memref_squeeze %dma_wait3A_48 : memref<1x125x80xi32, #tpu.memory_space<hbm>> -> memref<125x80xi32, #tpu.memory_space<hbm>>
      tpu.wait_dma2 semaphore(%run_scoped3A_33 : memref<!tpu.dma_semaphore, #tpu.memory_space<semaphore_mem>>) src(%dma_wait3A_49 : memref<125x80xi32, #tpu.memory_space<hbm>>) dst(%arg8 : memref<125x80xi32, #tpu.memory_space<vmem>>)
      tpu.yield
    }) : () -> ()
    %dma_start3A = arith.constant 0 : i32
    %dma_start3A_5 = arith.constant 0 : i32
    %dma_start3A_6 = tpu.memref_slice %arg7[%dma_start3A, %dma_start3A_5] : memref<125x80xi32, #tpu.memory_space<vmem>> -> memref<1x80xi32, #tpu.memory_space<vmem>>
    %dma_start3A_7 = tpu.memref_squeeze %dma_start3A_6 : memref<1x80xi32, #tpu.memory_space<vmem>> -> memref<80xi32, #tpu.memory_space<vmem>>
    %dma_start3A_8 = arith.constant 0 : i32
    %dma_start3A_9 = arith.constant 0 : i32
    %dma_start3A_10 = tpu.memref_slice %arg2[%dma_start3A_8, %dma_start3A_9] : memref<10000x64xf32, #tpu.memory_space<hbm>> -> memref<10000x64xf32, #tpu.memory_space<hbm>>
    tpu.enqueue_indirect_dma source(%dma_start3A_10 : memref<10000x64xf32, #tpu.memory_space<hbm>>) target(%arg9 : memref<80x64xf32, #tpu.memory_space<vmem>>) offsets(%dma_start3A_7 : memref<80xi32, #tpu.memory_space<vmem>>) semaphore(%arg13 : memref<!tpu.dma_semaphore, #tpu.memory_space<semaphore_mem>>)
    %scan3A = arith.constant 0 : i32
    %scan3A_11 = arith.constant 0 : i32
    %scan3A_12 = arith.constant 62 : i32
    %scan3A_13 = arith.addi %scan3A_11, %scan3A_12 : i32
    %scan3A_14 = arith.constant 1 : i32
    %scan3A_15 = scf.for %scan3A_33 = %scan3A_11 to %scan3A_13 step %scan3A_14 iter_args(%scan3A_34 = %scan3A) -> (i32)  : i32 {
      %mul3A_35 = arith.constant 2 : i32
      %mul3A_36 = arith.muli %mul3A_35, %scan3A_33 : i32
      %add3A_37 = arith.constant 0 : i32
      %add3A_38 = arith.addi %mul3A_36, %add3A_37 : i32
      %dma_wait3A_39 = arith.constant 0 : i32
      %dma_wait3A_40 = tpu.memref_slice %arg7[%add3A_38, %dma_wait3A_39] : memref<125x80xi32, #tpu.memory_space<vmem>> -> memref<1x80xi32, #tpu.memory_space<vmem>>
      %dma_wait3A_41 = tpu.memref_squeeze %dma_wait3A_40 : memref<1x80xi32, #tpu.memory_space<vmem>> -> memref<80xi32, #tpu.memory_space<vmem>>
      %dma_wait3A_42 = arith.constant 0 : i32
      %dma_wait3A_43 = arith.constant 0 : i32
      %dma_wait3A_44 = tpu.memref_slice %arg2[%dma_wait3A_42, %dma_wait3A_43] : memref<10000x64xf32, #tpu.memory_space<hbm>> -> memref<10000x64xf32, #tpu.memory_space<hbm>>
      tpu.wait_indirect_dma semaphore(%arg13 : memref<!tpu.dma_semaphore, #tpu.memory_space<semaphore_mem>>) src(%dma_wait3A_44 : memref<10000x64xf32, #tpu.memory_space<hbm>>) dst(%arg9 : memref<80x64xf32, #tpu.memory_space<vmem>>)
      %add3A_45 = arith.constant 1 : i32
      %add3A_46 = arith.addi %add3A_38, %add3A_45 : i32
      %lt3A = arith.constant 125 : i32
      %lt3A_47 = arith.cmpi slt, %add3A_46, %lt3A : i32
      %convert_element_type3A_48 = arith.extui %lt3A_47 : i1 to i32
      %cond3A_49 = arith.constant 0 : i32
      %cond3A_50 = arith.cmpi ne, %convert_element_type3A_48, %cond3A_49 : i32
      scf.if %cond3A_50 {
        %add3A_69 = arith.constant 1 : i32
        %add3A_70 = arith.addi %add3A_38, %add3A_69 : i32
        %dma_start3A_71 = arith.constant 0 : i32
        %dma_start3A_72 = tpu.memref_slice %arg7[%add3A_70, %dma_start3A_71] : memref<125x80xi32, #tpu.memory_space<vmem>> -> memref<1x80xi32, #tpu.memory_space<vmem>>
        %dma_start3A_73 = tpu.memref_squeeze %dma_start3A_72 : memref<1x80xi32, #tpu.memory_space<vmem>> -> memref<80xi32, #tpu.memory_space<vmem>>
        %dma_start3A_74 = arith.constant 0 : i32
        %dma_start3A_75 = arith.constant 0 : i32
        %dma_start3A_76 = tpu.memref_slice %arg2[%dma_start3A_74, %dma_start3A_75] : memref<10000x64xf32, #tpu.memory_space<hbm>> -> memref<10000x64xf32, #tpu.memory_space<hbm>>
        tpu.enqueue_indirect_dma source(%dma_start3A_76 : memref<10000x64xf32, #tpu.memory_space<hbm>>) target(%arg10 : memref<80x64xf32, #tpu.memory_space<vmem>>) offsets(%dma_start3A_73 : memref<80xi32, #tpu.memory_space<vmem>>) semaphore(%arg14 : memref<!tpu.dma_semaphore, #tpu.memory_space<semaphore_mem>>)
      } else {
      }
      "tpu.region"() ({
        %run_scoped3A_69 = tpu.sem_alloc : memref<!tpu.dma_semaphore, #tpu.memory_space<semaphore_mem>>
        %dma_start3A_70 = arith.constant 0 : i32
        %dma_start3A_71 = tpu.memref_slice %arg8[%add3A_38, %dma_start3A_70] : memref<125x80xi32, #tpu.memory_space<vmem>> -> memref<1x80xi32, #tpu.memory_space<vmem>>
        %dma_start3A_72 = tpu.memref_squeeze %dma_start3A_71 : memref<1x80xi32, #tpu.memory_space<vmem>> -> memref<80xi32, #tpu.memory_space<vmem>>
        %dma_start3A_73 = arith.constant 0 : i32
        %dma_start3A_74 = arith.constant 0 : i32
        %dma_start3A_75 = tpu.memref_slice %arg12[%dma_start3A_73, %dma_start3A_74] : memref<10000x64xf32, #tpu.memory_space<vmem_shared>> -> memref<10000x64xf32, #tpu.memory_space<vmem_shared>>
        tpu.enqueue_indirect_dma source(%arg9 : memref<80x64xf32, #tpu.memory_space<vmem>>) target(%dma_start3A_75 : memref<10000x64xf32, #tpu.memory_space<vmem_shared>>) offsets(%dma_start3A_72 : memref<80xi32, #tpu.memory_space<vmem>>) semaphore(%run_scoped3A_69 : memref<!tpu.dma_semaphore, #tpu.memory_space<semaphore_mem>>) {add = true}
        %dma_wait3A_76 = arith.constant 0 : i32
        %dma_wait3A_77 = tpu.memref_slice %arg8[%add3A_38, %dma_wait3A_76] : memref<125x80xi32, #tpu.memory_space<vmem>> -> memref<1x80xi32, #tpu.memory_space<vmem>>
        %dma_wait3A_78 = tpu.memref_squeeze %dma_wait3A_77 : memref<1x80xi32, #tpu.memory_space<vmem>> -> memref<80xi32, #tpu.memory_space<vmem>>
        %dma_wait3A_79 = arith.constant 0 : i32
        %dma_wait3A_80 = arith.constant 0 : i32
        %dma_wait3A_81 = tpu.memref_slice %arg12[%dma_wait3A_79, %dma_wait3A_80] : memref<10000x64xf32, #tpu.memory_space<vmem_shared>> -> memref<10000x64xf32, #tpu.memory_space<vmem_shared>>
        tpu.wait_indirect_dma semaphore(%run_scoped3A_69 : memref<!tpu.dma_semaphore, #tpu.memory_space<semaphore_mem>>) src(%arg9 : memref<80x64xf32, #tpu.memory_space<vmem>>) dst(%dma_wait3A_81 : memref<10000x64xf32, #tpu.memory_space<vmem_shared>>)
        tpu.yield
      }) : () -> ()
      %mul3A_51 = arith.constant 2 : i32
      %mul3A_52 = arith.muli %mul3A_51, %scan3A_33 : i32
      %add3A_53 = arith.constant 1 : i32
      %add3A_54 = arith.addi %mul3A_52, %add3A_53 : i32
      %dma_wait3A_55 = arith.constant 0 : i32
      %dma_wait3A_56 = tpu.memref_slice %arg7[%add3A_54, %dma_wait3A_55] : memref<125x80xi32, #tpu.memory_space<vmem>> -> memref<1x80xi32, #tpu.memory_space<vmem>>
      %dma_wait3A_57 = tpu.memref_squeeze %dma_wait3A_56 : memref<1x80xi32, #tpu.memory_space<vmem>> -> memref<80xi32, #tpu.memory_space<vmem>>
      %dma_wait3A_58 = arith.constant 0 : i32
      %dma_wait3A_59 = arith.constant 0 : i32
      %dma_wait3A_60 = tpu.memref_slice %arg2[%dma_wait3A_58, %dma_wait3A_59] : memref<10000x64xf32, #tpu.memory_space<hbm>> -> memref<10000x64xf32, #tpu.memory_space<hbm>>
      tpu.wait_indirect_dma semaphore(%arg14 : memref<!tpu.dma_semaphore, #tpu.memory_space<semaphore_mem>>) src(%dma_wait3A_60 : memref<10000x64xf32, #tpu.memory_space<hbm>>) dst(%arg10 : memref<80x64xf32, #tpu.memory_space<vmem>>)
      %add3A_61 = arith.constant 1 : i32
      %add3A_62 = arith.addi %add3A_54, %add3A_61 : i32
      %lt3A_63 = arith.constant 125 : i32
      %lt3A_64 = arith.cmpi slt, %add3A_62, %lt3A_63 : i32
      %convert_element_type3A_65 = arith.extui %lt3A_64 : i1 to i32
      %cond3A_66 = arith.constant 0 : i32
      %cond3A_67 = arith.cmpi ne, %convert_element_type3A_65, %cond3A_66 : i32
      scf.if %cond3A_67 {
        %add3A_69 = arith.constant 1 : i32
        %add3A_70 = arith.addi %add3A_54, %add3A_69 : i32
        %dma_start3A_71 = arith.constant 0 : i32
        %dma_start3A_72 = tpu.memref_slice %arg7[%add3A_70, %dma_start3A_71] : memref<125x80xi32, #tpu.memory_space<vmem>> -> memref<1x80xi32, #tpu.memory_space<vmem>>
        %dma_start3A_73 = tpu.memref_squeeze %dma_start3A_72 : memref<1x80xi32, #tpu.memory_space<vmem>> -> memref<80xi32, #tpu.memory_space<vmem>>
        %dma_start3A_74 = arith.constant 0 : i32
        %dma_start3A_75 = arith.constant 0 : i32
        %dma_start3A_76 = tpu.memref_slice %arg2[%dma_start3A_74, %dma_start3A_75] : memref<10000x64xf32, #tpu.memory_space<hbm>> -> memref<10000x64xf32, #tpu.memory_space<hbm>>
        tpu.enqueue_indirect_dma source(%dma_start3A_76 : memref<10000x64xf32, #tpu.memory_space<hbm>>) target(%arg9 : memref<80x64xf32, #tpu.memory_space<vmem>>) offsets(%dma_start3A_73 : memref<80xi32, #tpu.memory_space<vmem>>) semaphore(%arg13 : memref<!tpu.dma_semaphore, #tpu.memory_space<semaphore_mem>>)
      } else {
      }
      "tpu.region"() ({
        %run_scoped3A_69 = tpu.sem_alloc : memref<!tpu.dma_semaphore, #tpu.memory_space<semaphore_mem>>
        %dma_start3A_70 = arith.constant 0 : i32
        %dma_start3A_71 = tpu.memref_slice %arg8[%add3A_54, %dma_start3A_70] : memref<125x80xi32, #tpu.memory_space<vmem>> -> memref<1x80xi32, #tpu.memory_space<vmem>>
        %dma_start3A_72 = tpu.memref_squeeze %dma_start3A_71 : memref<1x80xi32, #tpu.memory_space<vmem>> -> memref<80xi32, #tpu.memory_space<vmem>>
        %dma_start3A_73 = arith.constant 0 : i32
        %dma_start3A_74 = arith.constant 0 : i32
        %dma_start3A_75 = tpu.memref_slice %arg12[%dma_start3A_73, %dma_start3A_74] : memref<10000x64xf32, #tpu.memory_space<vmem_shared>> -> memref<10000x64xf32, #tpu.memory_space<vmem_shared>>
        tpu.enqueue_indirect_dma source(%arg10 : memref<80x64xf32, #tpu.memory_space<vmem>>) target(%dma_start3A_75 : memref<10000x64xf32, #tpu.memory_space<vmem_shared>>) offsets(%dma_start3A_72 : memref<80xi32, #tpu.memory_space<vmem>>) semaphore(%run_scoped3A_69 : memref<!tpu.dma_semaphore, #tpu.memory_space<semaphore_mem>>) {add = true}
        %dma_wait3A_76 = arith.constant 0 : i32
        %dma_wait3A_77 = tpu.memref_slice %arg8[%add3A_54, %dma_wait3A_76] : memref<125x80xi32, #tpu.memory_space<vmem>> -> memref<1x80xi32, #tpu.memory_space<vmem>>
        %dma_wait3A_78 = tpu.memref_squeeze %dma_wait3A_77 : memref<1x80xi32, #tpu.memory_space<vmem>> -> memref<80xi32, #tpu.memory_space<vmem>>
        %dma_wait3A_79 = arith.constant 0 : i32
        %dma_wait3A_80 = arith.constant 0 : i32
        %dma_wait3A_81 = tpu.memref_slice %arg12[%dma_wait3A_79, %dma_wait3A_80] : memref<10000x64xf32, #tpu.memory_space<vmem_shared>> -> memref<10000x64xf32, #tpu.memory_space<vmem_shared>>
        tpu.wait_indirect_dma semaphore(%run_scoped3A_69 : memref<!tpu.dma_semaphore, #tpu.memory_space<semaphore_mem>>) src(%arg10 : memref<80x64xf32, #tpu.memory_space<vmem>>) dst(%dma_wait3A_81 : memref<10000x64xf32, #tpu.memory_space<vmem_shared>>)
        tpu.yield
      }) : () -> ()
      %scan3A_68 = arith.constant 0 : i32
      scf.yield %scan3A_68 : i32
    }
    %scan3A_16 = arith.constant 62 : i32
    %dma_wait3A = arith.constant 124 : i32
    %dma_wait3A_17 = arith.constant 0 : i32
    %dma_wait3A_18 = tpu.memref_slice %arg7[%dma_wait3A, %dma_wait3A_17] : memref<125x80xi32, #tpu.memory_space<vmem>> -> memref<1x80xi32, #tpu.memory_space<vmem>>
    %dma_wait3A_19 = tpu.memref_squeeze %dma_wait3A_18 : memref<1x80xi32, #tpu.memory_space<vmem>> -> memref<80xi32, #tpu.memory_space<vmem>>
    %dma_wait3A_20 = arith.constant 0 : i32
    %dma_wait3A_21 = arith.constant 0 : i32
    %dma_wait3A_22 = tpu.memref_slice %arg2[%dma_wait3A_20, %dma_wait3A_21] : memref<10000x64xf32, #tpu.memory_space<hbm>> -> memref<10000x64xf32, #tpu.memory_space<hbm>>
    tpu.wait_indirect_dma semaphore(%arg13 : memref<!tpu.dma_semaphore, #tpu.memory_space<semaphore_mem>>) src(%dma_wait3A_22 : memref<10000x64xf32, #tpu.memory_space<hbm>>) dst(%arg9 : memref<80x64xf32, #tpu.memory_space<vmem>>)
    %run_scoped3A = arith.constant 124 : i32
    "tpu.region"() ({
      %run_scoped3A_33 = tpu.sem_alloc : memref<!tpu.dma_semaphore, #tpu.memory_space<semaphore_mem>>
      %dma_start3A_34 = arith.constant 0 : i32
      %dma_start3A_35 = tpu.memref_slice %arg8[%run_scoped3A, %dma_start3A_34] : memref<125x80xi32, #tpu.memory_space<vmem>> -> memref<1x80xi32, #tpu.memory_space<vmem>>
      %dma_start3A_36 = tpu.memref_squeeze %dma_start3A_35 : memref<1x80xi32, #tpu.memory_space<vmem>> -> memref<80xi32, #tpu.memory_space<vmem>>
      %dma_start3A_37 = arith.constant 0 : i32
      %dma_start3A_38 = arith.constant 0 : i32
      %dma_start3A_39 = tpu.memref_slice %arg12[%dma_start3A_37, %dma_start3A_38] : memref<10000x64xf32, #tpu.memory_space<vmem_shared>> -> memref<10000x64xf32, #tpu.memory_space<vmem_shared>>
      tpu.enqueue_indirect_dma source(%arg9 : memref<80x64xf32, #tpu.memory_space<vmem>>) target(%dma_start3A_39 : memref<10000x64xf32, #tpu.memory_space<vmem_shared>>) offsets(%dma_start3A_36 : memref<80xi32, #tpu.memory_space<vmem>>) semaphore(%run_scoped3A_33 : memref<!tpu.dma_semaphore, #tpu.memory_space<semaphore_mem>>) {add = true}
      %dma_wait3A_40 = arith.constant 0 : i32
      %dma_wait3A_41 = tpu.memref_slice %arg8[%run_scoped3A, %dma_wait3A_40] : memref<125x80xi32, #tpu.memory_space<vmem>> -> memref<1x80xi32, #tpu.memory_space<vmem>>
      %dma_wait3A_42 = tpu.memref_squeeze %dma_wait3A_41 : memref<1x80xi32, #tpu.memory_space<vmem>> -> memref<80xi32, #tpu.memory_space<vmem>>
      %dma_wait3A_43 = arith.constant 0 : i32
      %dma_wait3A_44 = arith.constant 0 : i32
      %dma_wait3A_45 = tpu.memref_slice %arg12[%dma_wait3A_43, %dma_wait3A_44] : memref<10000x64xf32, #tpu.memory_space<vmem_shared>> -> memref<10000x64xf32, #tpu.memory_space<vmem_shared>>
      tpu.wait_indirect_dma semaphore(%run_scoped3A_33 : memref<!tpu.dma_semaphore, #tpu.memory_space<semaphore_mem>>) src(%arg9 : memref<80x64xf32, #tpu.memory_space<vmem>>) dst(%dma_wait3A_45 : memref<10000x64xf32, #tpu.memory_space<vmem_shared>>)
      tpu.yield
    }) : () -> ()
    %barrier3A_23 = arith.constant 0 : index
    tpu.barrier barrier_id(%barrier3A_23)
    %mul3A_24 = arith.constant 624 : i32
    %mul3A_25 = arith.muli %arg1, %mul3A_24 : i32
    "tpu.region"() ({
      %run_scoped3A_33 = tpu.sem_alloc : memref<!tpu.dma_semaphore, #tpu.memory_space<semaphore_mem>>
      %dma_start3A_34 = arith.constant 0 : i32
      %dma_start3A_35 = tpu.memref_slice %arg12[%mul3A_25, %dma_start3A_34] : memref<10000x64xf32, #tpu.memory_space<vmem_shared>> -> memref<624x64xf32, #tpu.memory_space<vmem_shared>>
      %dma_start3A_36 = arith.constant 0 : i32
      %dma_start3A_37 = tpu.memref_slice %arg12[%mul3A_25, %dma_start3A_36] : memref<10000x64xf32, #tpu.memory_space<vmem_shared>> -> memref<624x64xf32, #tpu.memory_space<vmem_shared>>
      tpu.enqueue_dma source(%dma_start3A_37 : memref<624x64xf32, #tpu.memory_space<vmem_shared>>) target(%arg11 : memref<624x64xf32, #tpu.memory_space<vmem>>) target_semaphore(%run_scoped3A_33 : memref<!tpu.dma_semaphore, #tpu.memory_space<semaphore_mem>>)
      %dma_wait3A_38 = arith.constant 0 : i32
      %dma_wait3A_39 = tpu.memref_slice %arg12[%mul3A_25, %dma_wait3A_38] : memref<10000x64xf32, #tpu.memory_space<vmem_shared>> -> memref<624x64xf32, #tpu.memory_space<vmem_shared>>
      %dma_wait3A_40 = arith.constant 0 : i32
      %dma_wait3A_41 = tpu.memref_slice %arg12[%mul3A_25, %dma_wait3A_40] : memref<10000x64xf32, #tpu.memory_space<vmem_shared>> -> memref<624x64xf32, #tpu.memory_space<vmem_shared>>
      tpu.wait_dma2 semaphore(%run_scoped3A_33 : memref<!tpu.dma_semaphore, #tpu.memory_space<semaphore_mem>>) src(%dma_wait3A_41 : memref<624x64xf32, #tpu.memory_space<vmem_shared>>) dst(%arg11 : memref<624x64xf32, #tpu.memory_space<vmem>>)
      tpu.yield
    }) : () -> ()
    %mul3A_26 = arith.constant 624 : i32
    %mul3A_27 = arith.muli %arg1, %mul3A_26 : i32
    "tpu.region"() ({
      %run_scoped3A_33 = tpu.sem_alloc : memref<!tpu.dma_semaphore, #tpu.memory_space<semaphore_mem>>
      %dma_start3A_34 = arith.constant 0 : i32
      %dma_start3A_35 = tpu.memref_slice %arg6[%arg0, %mul3A_27, %dma_start3A_34] : memref<2x10000x64xf32, #tpu.memory_space<hbm>> -> memref<1x624x64xf32, #tpu.memory_space<hbm>>
      %dma_start3A_36 = tpu.memref_squeeze %dma_start3A_35 : memref<1x624x64xf32, #tpu.memory_space<hbm>> -> memref<624x64xf32, #tpu.memory_space<hbm>>
      %dma_start3A_37 = arith.constant 0 : i32
      %dma_start3A_38 = tpu.memref_slice %arg6[%arg0, %mul3A_27, %dma_start3A_37] : memref<2x10000x64xf32, #tpu.memory_space<hbm>> -> memref<1x624x64xf32, #tpu.memory_space<hbm>>
      %dma_start3A_39 = tpu.memref_squeeze %dma_start3A_38 : memref<1x624x64xf32, #tpu.memory_space<hbm>> -> memref<624x64xf32, #tpu.memory_space<hbm>>
      tpu.enqueue_dma source(%arg11 : memref<624x64xf32, #tpu.memory_space<vmem>>) target(%dma_start3A_39 : memref<624x64xf32, #tpu.memory_space<hbm>>) target_semaphore(%run_scoped3A_33 : memref<!tpu.dma_semaphore, #tpu.memory_space<semaphore_mem>>)
      %dma_wait3A_40 = arith.constant 0 : i32
      %dma_wait3A_41 = tpu.memref_slice %arg6[%arg0, %mul3A_27, %dma_wait3A_40] : memref<2x10000x64xf32, #tpu.memory_space<hbm>> -> memref<1x624x64xf32, #tpu.memory_space<hbm>>
      %dma_wait3A_42 = tpu.memref_squeeze %dma_wait3A_41 : memref<1x624x64xf32, #tpu.memory_space<hbm>> -> memref<624x64xf32, #tpu.memory_space<hbm>>
      %dma_wait3A_43 = arith.constant 0 : i32
      %dma_wait3A_44 = tpu.memref_slice %arg6[%arg0, %mul3A_27, %dma_wait3A_43] : memref<2x10000x64xf32, #tpu.memory_space<hbm>> -> memref<1x624x64xf32, #tpu.memory_space<hbm>>
      %dma_wait3A_45 = tpu.memref_squeeze %dma_wait3A_44 : memref<1x624x64xf32, #tpu.memory_space<hbm>> -> memref<624x64xf32, #tpu.memory_space<hbm>>
      tpu.wait_dma2 semaphore(%run_scoped3A_33 : memref<!tpu.dma_semaphore, #tpu.memory_space<semaphore_mem>>) src(%arg11 : memref<624x64xf32, #tpu.memory_space<vmem>>) dst(%dma_wait3A_45 : memref<624x64xf32, #tpu.memory_space<hbm>>)
      tpu.yield
    }) : () -> ()
    %eq3A_28 = arith.constant 0 : i32
    %eq3A_29 = arith.cmpi eq, %arg1, %eq3A_28 : i32
    %convert_element_type3A_30 = arith.extui %eq3A_29 : i1 to i32
    %cond3A_31 = arith.constant 0 : i32
    %cond3A_32 = arith.cmpi ne, %convert_element_type3A_30, %cond3A_31 : i32
    scf.if %cond3A_32 {
      "tpu.region"() ({
        %run_scoped3A_33 = tpu.sem_alloc : memref<!tpu.dma_semaphore, #tpu.memory_space<semaphore_mem>>
        %dma_start3A_34 = arith.constant 0 : i32
        %dma_start3A_35 = arith.constant 0 : i32
        %dma_start3A_36 = tpu.memref_slice %arg11[%dma_start3A_34, %dma_start3A_35] : memref<624x64xf32, #tpu.memory_space<vmem>> -> memref<16x64xf32, #tpu.memory_space<vmem>>
        %dma_start3A_37 = arith.constant 9984 : i32
        %dma_start3A_38 = arith.constant 0 : i32
        %dma_start3A_39 = tpu.memref_slice %arg12[%dma_start3A_37, %dma_start3A_38] : memref<10000x64xf32, #tpu.memory_space<vmem_shared>> -> memref<16x64xf32, #tpu.memory_space<vmem_shared>>
        %dma_start3A_40 = arith.constant 0 : i32
        %dma_start3A_41 = arith.constant 0 : i32
        %dma_start3A_42 = tpu.memref_slice %arg11[%dma_start3A_40, %dma_start3A_41] : memref<624x64xf32, #tpu.memory_space<vmem>> -> memref<16x64xf32, #tpu.memory_space<vmem>>
        %dma_start3A_43 = arith.constant 9984 : i32
        %dma_start3A_44 = arith.constant 0 : i32
        %dma_start3A_45 = tpu.memref_slice %arg12[%dma_start3A_43, %dma_start3A_44] : memref<10000x64xf32, #tpu.memory_space<vmem_shared>> -> memref<16x64xf32, #tpu.memory_space<vmem_shared>>
        tpu.enqueue_dma source(%dma_start3A_45 : memref<16x64xf32, #tpu.memory_space<vmem_shared>>) target(%dma_start3A_42 : memref<16x64xf32, #tpu.memory_space<vmem>>) target_semaphore(%run_scoped3A_33 : memref<!tpu.dma_semaphore, #tpu.memory_space<semaphore_mem>>)
        %dma_wait3A_46 = arith.constant 0 : i32
        %dma_wait3A_47 = arith.constant 0 : i32
        %dma_wait3A_48 = tpu.memref_slice %arg11[%dma_wait3A_46, %dma_wait3A_47] : memref<624x64xf32, #tpu.memory_space<vmem>> -> memref<16x64xf32, #tpu.memory_space<vmem>>
        %dma_wait3A_49 = arith.constant 9984 : i32
        %dma_wait3A_50 = arith.constant 0 : i32
        %dma_wait3A_51 = tpu.memref_slice %arg12[%dma_wait3A_49, %dma_wait3A_50] : memref<10000x64xf32, #tpu.memory_space<vmem_shared>> -> memref<16x64xf32, #tpu.memory_space<vmem_shared>>
        %dma_wait3A_52 = arith.constant 0 : i32
        %dma_wait3A_53 = arith.constant 0 : i32
        %dma_wait3A_54 = tpu.memref_slice %arg11[%dma_wait3A_52, %dma_wait3A_53] : memref<624x64xf32, #tpu.memory_space<vmem>> -> memref<16x64xf32, #tpu.memory_space<vmem>>
        %dma_wait3A_55 = arith.constant 9984 : i32
        %dma_wait3A_56 = arith.constant 0 : i32
        %dma_wait3A_57 = tpu.memref_slice %arg12[%dma_wait3A_55, %dma_wait3A_56] : memref<10000x64xf32, #tpu.memory_space<vmem_shared>> -> memref<16x64xf32, #tpu.memory_space<vmem_shared>>
        tpu.wait_dma2 semaphore(%run_scoped3A_33 : memref<!tpu.dma_semaphore, #tpu.memory_space<semaphore_mem>>) src(%dma_wait3A_57 : memref<16x64xf32, #tpu.memory_space<vmem_shared>>) dst(%dma_wait3A_54 : memref<16x64xf32, #tpu.memory_space<vmem>>)
        tpu.yield
      }) : () -> ()
      "tpu.region"() ({
        %run_scoped3A_33 = tpu.sem_alloc : memref<!tpu.dma_semaphore, #tpu.memory_space<semaphore_mem>>
        %dma_start3A_34 = arith.constant 0 : i32
        %dma_start3A_35 = arith.constant 0 : i32
        %dma_start3A_36 = tpu.memref_slice %arg11[%dma_start3A_34, %dma_start3A_35] : memref<624x64xf32, #tpu.memory_space<vmem>> -> memref<16x64xf32, #tpu.memory_space<vmem>>
        %dma_start3A_37 = arith.constant 9984 : i32
        %dma_start3A_38 = arith.constant 0 : i32
        %dma_start3A_39 = tpu.memref_slice %arg6[%arg0, %dma_start3A_37, %dma_start3A_38] : memref<2x10000x64xf32, #tpu.memory_space<hbm>> -> memref<1x16x64xf32, #tpu.memory_space<hbm>>
        %dma_start3A_40 = tpu.memref_squeeze %dma_start3A_39 : memref<1x16x64xf32, #tpu.memory_space<hbm>> -> memref<16x64xf32, #tpu.memory_space<hbm>>
        %dma_start3A_41 = arith.constant 9984 : i32
        %dma_start3A_42 = arith.constant 0 : i32
        %dma_start3A_43 = tpu.memref_slice %arg6[%arg0, %dma_start3A_41, %dma_start3A_42] : memref<2x10000x64xf32, #tpu.memory_space<hbm>> -> memref<1x16x64xf32, #tpu.memory_space<hbm>>
        %dma_start3A_44 = tpu.memref_squeeze %dma_start3A_43 : memref<1x16x64xf32, #tpu.memory_space<hbm>> -> memref<16x64xf32, #tpu.memory_space<hbm>>
        %dma_start3A_45 = arith.constant 0 : i32
        %dma_start3A_46 = arith.constant 0 : i32
        %dma_start3A_47 = tpu.memref_slice %arg11[%dma_start3A_45, %dma_start3A_46] : memref<624x64xf32, #tpu.memory_space<vmem>> -> memref<16x64xf32, #tpu.memory_space<vmem>>
        tpu.enqueue_dma source(%dma_start3A_47 : memref<16x64xf32, #tpu.memory_space<vmem>>) target(%dma_start3A_44 : memref<16x64xf32, #tpu.memory_space<hbm>>) target_semaphore(%run_scoped3A_33 : memref<!tpu.dma_semaphore, #tpu.memory_space<semaphore_mem>>)
        %dma_wait3A_48 = arith.constant 0 : i32
        %dma_wait3A_49 = arith.constant 0 : i32
        %dma_wait3A_50 = tpu.memref_slice %arg11[%dma_wait3A_48, %dma_wait3A_49] : memref<624x64xf32, #tpu.memory_space<vmem>> -> memref<16x64xf32, #tpu.memory_space<vmem>>
        %dma_wait3A_51 = arith.constant 9984 : i32
        %dma_wait3A_52 = arith.constant 0 : i32
        %dma_wait3A_53 = tpu.memref_slice %arg6[%arg0, %dma_wait3A_51, %dma_wait3A_52] : memref<2x10000x64xf32, #tpu.memory_space<hbm>> -> memref<1x16x64xf32, #tpu.memory_space<hbm>>
        %dma_wait3A_54 = tpu.memref_squeeze %dma_wait3A_53 : memref<1x16x64xf32, #tpu.memory_space<hbm>> -> memref<16x64xf32, #tpu.memory_space<hbm>>
        %dma_wait3A_55 = arith.constant 9984 : i32
        %dma_wait3A_56 = arith.constant 0 : i32
        %dma_wait3A_57 = tpu.memref_slice %arg6[%arg0, %dma_wait3A_55, %dma_wait3A_56] : memref<2x10000x64xf32, #tpu.memory_space<hbm>> -> memref<1x16x64xf32, #tpu.memory_space<hbm>>
        %dma_wait3A_58 = tpu.memref_squeeze %dma_wait3A_57 : memref<1x16x64xf32, #tpu.memory_space<hbm>> -> memref<16x64xf32, #tpu.memory_space<hbm>>
        %dma_wait3A_59 = arith.constant 0 : i32
        %dma_wait3A_60 = arith.constant 0 : i32
        %dma_wait3A_61 = tpu.memref_slice %arg11[%dma_wait3A_59, %dma_wait3A_60] : memref<624x64xf32, #tpu.memory_space<vmem>> -> memref<16x64xf32, #tpu.memory_space<vmem>>
        tpu.wait_dma2 semaphore(%run_scoped3A_33 : memref<!tpu.dma_semaphore, #tpu.memory_space<semaphore_mem>>) src(%dma_wait3A_61 : memref<16x64xf32, #tpu.memory_space<vmem>>) dst(%dma_wait3A_58 : memref<16x64xf32, #tpu.memory_space<hbm>>)
        tpu.yield
      }) : () -> ()
    } else {
    }
    return
  }
}

module attributes {stable_mosaic.version = 14 : i64} {
  func.func @_tc_feat_body(%arg0: i32, %arg1: memref<2000x128xf32, #tpu.memory_space<vmem>>, %arg2: memref<128x64xf32, #tpu.memory_space<vmem>>, %arg3: memref<1x64xf32, #tpu.memory_space<vmem>>, %arg4: memref<1x64xf32, #tpu.memory_space<vmem>>, %arg5: memref<2000x64xf32, #tpu.memory_space<vmem>>) attributes {dimension_semantics = [#tpu.dimension_semantics<arbitrary>], iteration_bounds = array<i64: 5>, scalar_prefetch = 0 : i64, scratch_operands = 0 : i64, tpu.core_type = #tpu.core_type<tc>, window_params = [{transform_indices = @transform_0, window_bounds = array<i64: 2000, 128>}, {pipeline_mode = #tpu.pipeline_mode<synchronous>, transform_indices = @transform_1, window_bounds = array<i64: 128, 64>}, {pipeline_mode = #tpu.pipeline_mode<synchronous>, transform_indices = @transform_2, window_bounds = array<i64: 1, 64>}, {pipeline_mode = #tpu.pipeline_mode<synchronous>, transform_indices = @transform_3, window_bounds = array<i64: 1, 64>}, {transform_indices = @transform_4, window_bounds = array<i64: 2000, 64>}]} {
    %get3A = arith.constant 0 : index
    %get3A_0 = arith.constant 0 : index
    %get3A_1 = vector.load %arg1[%get3A, %get3A_0] : memref<2000x128xf32, #tpu.memory_space<vmem>>, vector<2000x128xf32>
    %convert_element_type3A = arith.truncf %get3A_1 : vector<2000x128xf32> to vector<2000x128xbf16>
    %get3A_2 = arith.constant 0 : index
    %get3A_3 = arith.constant 0 : index
    %get3A_4 = vector.load %arg2[%get3A_2, %get3A_3] : memref<128x64xf32, #tpu.memory_space<vmem>>, vector<128x64xf32>
    %convert_element_type3A_5 = arith.truncf %get3A_4 : vector<128x64xf32> to vector<128x64xbf16>
    %dot_general3A = arith.constant dense<0.000000e+00> : vector<2000x64xf32>
    %dot_general3A_6 = tpu.matmul %convert_element_type3A, %convert_element_type3A_5, %dot_general3A {dimension_numbers = #tpu.dot_dimension_numbers<[1], [0], [0], [1], [0, 0, 1, 1], [], []>, transpose_lhs_hint = false} : vector<2000x128xbf16>, vector<128x64xbf16>, vector<2000x64xf32> -> vector<2000x64xf32>
    %get3A_7 = arith.constant 0 : index
    %get3A_8 = arith.constant 0 : index
    %get3A_9 = vector.load %arg3[%get3A_7, %get3A_8] : memref<1x64xf32, #tpu.memory_space<vmem>>, vector<1x64xf32>
    %mul3A = vector.broadcast %get3A_9 : vector<1x64xf32> to vector<2000x64xf32>
    %mul3A_10 = arith.mulf %dot_general3A_6, %mul3A : vector<2000x64xf32>
    %get3A_11 = arith.constant 0 : index
    %get3A_12 = arith.constant 0 : index
    %get3A_13 = vector.load %arg4[%get3A_11, %get3A_12] : memref<1x64xf32, #tpu.memory_space<vmem>>, vector<1x64xf32>
    %add3A = vector.broadcast %get3A_13 : vector<1x64xf32> to vector<2000x64xf32>
    %add3A_14 = arith.addf %mul3A_10, %add3A : vector<2000x64xf32>
    %max3A = arith.constant 0.000000e+00 : f32
    %max3A_15 = vector.broadcast %max3A : f32 to vector<2000x64xf32>
    %max3A_16 = arith.maximumf %add3A_14, %max3A_15 : vector<2000x64xf32>
    %swap3A = arith.constant 0 : index
    %swap3A_17 = arith.constant 0 : index
    %swap3A_18 = vector.load %arg5[%swap3A, %swap3A_17] : memref<2000x64xf32, #tpu.memory_space<vmem>>, vector<2000x64xf32>
    tpu.vector_store %arg5[%swap3A, %swap3A_17], %max3A_16 {strides = array<i32>} : memref<2000x64xf32, #tpu.memory_space<vmem>>, vector<2000x64xf32>,
    return
  }
  func.func @transform_0(%arg0: i32) -> (i32, i32) {
    %c0_i32 = arith.constant 0 : i32
    %c0_i32_0 = arith.constant 0 : i32
    return %arg0, %c0_i32 : i32, i32
  }
  func.func @transform_1(%arg0: i32) -> (i32, i32) {
    %c0_i32 = arith.constant 0 : i32
    %c0_i32_0 = arith.constant 0 : i32
    %c0_i32_1 = arith.constant 0 : i32
    return %c0_i32, %c0_i32_0 : i32, i32
  }
  func.func @transform_2(%arg0: i32) -> (i32, i32) {
    %c0_i32 = arith.constant 0 : i32
    %c0_i32_0 = arith.constant 0 : i32
    %c0_i32_1 = arith.constant 0 : i32
    return %c0_i32, %c0_i32_0 : i32, i32
  }
  func.func @transform_3(%arg0: i32) -> (i32, i32) {
    %c0_i32 = arith.constant 0 : i32
    %c0_i32_0 = arith.constant 0 : i32
    %c0_i32_1 = arith.constant 0 : i32
    return %c0_i32, %c0_i32_0 : i32, i32
  }
  func.func @transform_4(%arg0: i32) -> (i32, i32) {
    %c0_i32 = arith.constant 0 : i32
    %c0_i32_0 = arith.constant 0 : i32
    return %arg0, %c0_i32 : i32, i32
  }
}

module attributes {stable_mosaic.version = 14 : i64} {
  func.func @_tc_head_body(%arg0: i32, %arg1: memref<2000x64xf32, #tpu.memory_space<vmem>>, %arg2: memref<2000x1xi32, #tpu.memory_space<vmem>>, %arg3: memref<64x1xf32, #tpu.memory_space<vmem>>, %arg4: memref<1x1xf32, #tpu.memory_space<smem>>, %arg5: memref<2000x1xf32, #tpu.memory_space<vmem>>, %arg6: memref<1x8xf32, #tpu.memory_space<vmem>>) attributes {dimension_semantics = [#tpu.dimension_semantics<arbitrary>], iteration_bounds = array<i64: 5>, scalar_prefetch = 0 : i64, scratch_operands = 0 : i64, tpu.core_type = #tpu.core_type<tc>, window_params = [{transform_indices = @transform_0, window_bounds = array<i64: 2000, 64>}, {transform_indices = @transform_1, window_bounds = array<i64: 2000, 1>}, {pipeline_mode = #tpu.pipeline_mode<synchronous>, transform_indices = @transform_2, window_bounds = array<i64: 64, 1>}, {transform_indices = @transform_3, window_bounds = array<i64: 1, 1>}, {transform_indices = @transform_4, window_bounds = array<i64: 2000, 1>}, {pipeline_mode = #tpu.pipeline_mode<synchronous>, transform_indices = @transform_5, window_bounds = array<i64: 1, 8>}]} {
    %get3A = arith.constant 0 : index
    %get3A_0 = arith.constant 0 : index
    %get3A_1 = vector.load %arg1[%get3A, %get3A_0] : memref<2000x64xf32, #tpu.memory_space<vmem>>, vector<2000x64xf32>
    %convert_element_type3A = arith.truncf %get3A_1 : vector<2000x64xf32> to vector<2000x64xbf16>
    %get3A_2 = arith.constant 0 : index
    %get3A_3 = arith.constant 0 : index
    %get3A_4 = vector.load %arg3[%get3A_2, %get3A_3] : memref<64x1xf32, #tpu.memory_space<vmem>>, vector<64x1xf32>
    %convert_element_type3A_5 = arith.truncf %get3A_4 : vector<64x1xf32> to vector<64x1xbf16>
    %dot_general3A = arith.constant dense<0.000000e+00> : vector<2000x1xf32>
    %dot_general3A_6 = tpu.matmul %convert_element_type3A, %convert_element_type3A_5, %dot_general3A {dimension_numbers = #tpu.dot_dimension_numbers<[1], [0], [0], [1], [0, 0, 1, 1], [], []>, transpose_lhs_hint = false} : vector<2000x64xbf16>, vector<64x1xbf16>, vector<2000x1xf32> -> vector<2000x1xf32>
    %get3A_7 = arith.constant 0 : index
    %get3A_8 = arith.constant 0 : index
    %get3A_9 = memref.load %arg4[%get3A_7, %get3A_8] : memref<1x1xf32, #tpu.memory_space<smem>>
    %add3A = vector.broadcast %get3A_9 : f32 to vector<2000x1xf32>
    %add3A_10 = arith.addf %dot_general3A_6, %add3A : vector<2000x1xf32>
    %swap3A = arith.constant 0 : index
    %swap3A_11 = arith.constant 0 : index
    %swap3A_12 = vector.load %arg5[%swap3A, %swap3A_11] : memref<2000x1xf32, #tpu.memory_space<vmem>>, vector<2000x1xf32>
    tpu.vector_store %arg5[%swap3A, %swap3A_11], %add3A_10 {strides = array<i32>} : memref<2000x1xf32, #tpu.memory_space<vmem>>, vector<2000x1xf32>,
    %iota3A = tpu.iota {dimensions = array<i32: 1>} : vector<2000x8xi32>
    %get3A_13 = arith.constant 0 : index
    %get3A_14 = arith.constant 0 : index
    %get3A_15 = vector.load %arg2[%get3A_13, %get3A_14] : memref<2000x1xi32, #tpu.memory_space<vmem>>, vector<2000x1xi32>
    %eq3A = vector.broadcast %get3A_15 : vector<2000x1xi32> to vector<2000x8xi32>
    %eq3A_16 = arith.cmpi eq, %eq3A, %iota3A : vector<2000x8xi32>
    %jit3A = arith.constant 0xFF800000 : f32
    %broadcast_in_dim3A = vector.shape_cast %add3A_10 : vector<2000x1xf32> to vector<2000x1xf32>
    %broadcast_in_dim3A_17 = vector.broadcast %broadcast_in_dim3A : vector<2000x1xf32> to vector<2000x8xf32>
    %broadcast_in_dim3A_18 = vector.broadcast %jit3A : f32 to vector<2000x8xf32>
    %select_n3A = arith.select %eq3A_16, %broadcast_in_dim3A_17, %broadcast_in_dim3A_18 : vector<2000x8xi1>, vector<2000x8xf32>
    %reduce_max3A = arith.constant dense<0xFF800000> : vector<8xf32>
    %reduce_max3A_19 = vector.multi_reduction <maximumf>, %select_n3A, %reduce_max3A [0] : vector<2000x8xf32> to vector<8xf32>
    %reshape3A = vector.shape_cast %reduce_max3A_19 : vector<8xf32> to vector<1x8xf32>
    %eq3A_20 = arith.constant 0 : i32
    %eq3A_21 = arith.cmpi eq, %arg0, %eq3A_20 : i32
    %broadcast_in_dim3A_22 = arith.constant 0xFF800000 : f32
    %broadcast_in_dim3A_23 = vector.broadcast %broadcast_in_dim3A_22 : f32 to vector<1x8xf32>
    %get3A_24 = arith.constant 0 : index
    %get3A_25 = arith.constant 0 : index
    %get3A_26 = vector.load %arg6[%get3A_24, %get3A_25] : memref<1x8xf32, #tpu.memory_space<vmem>>, vector<1x8xf32>
    %select_n3A_27 = arith.select %eq3A_21, %broadcast_in_dim3A_23, %get3A_26 : vector<1x8xf32>
    %max3A = arith.maximumf %select_n3A_27, %reshape3A : vector<1x8xf32>
    %swap3A_28 = arith.constant 0 : index
    %swap3A_29 = arith.constant 0 : index
    %swap3A_30 = vector.load %arg6[%swap3A_28, %swap3A_29] : memref<1x8xf32, #tpu.memory_space<vmem>>, vector<1x8xf32>
    tpu.vector_store %arg6[%swap3A_28, %swap3A_29], %max3A {strides = array<i32>} : memref<1x8xf32, #tpu.memory_space<vmem>>, vector<1x8xf32>,
    return
  }
  func.func @transform_0(%arg0: i32) -> (i32, i32) {
    %c0_i32 = arith.constant 0 : i32
    %c0_i32_0 = arith.constant 0 : i32
    return %arg0, %c0_i32 : i32, i32
  }
  func.func @transform_1(%arg0: i32) -> (i32, i32) {
    %c0_i32 = arith.constant 0 : i32
    %c0_i32_0 = arith.constant 0 : i32
    return %arg0, %c0_i32 : i32, i32
  }
  func.func @transform_2(%arg0: i32) -> (i32, i32) {
    %c0_i32 = arith.constant 0 : i32
    %c0_i32_0 = arith.constant 0 : i32
    %c0_i32_1 = arith.constant 0 : i32
    return %c0_i32, %c0_i32_0 : i32, i32
  }
  func.func @transform_3(%arg0: i32) -> (i32, i32) {
    %c0_i32 = arith.constant 0 : i32
    %c0_i32_0 = arith.constant 0 : i32
    %c0_i32_1 = arith.constant 0 : i32
    return %c0_i32, %c0_i32_0 : i32, i32
  }
  func.func @transform_4(%arg0: i32) -> (i32, i32) {
    %c0_i32 = arith.constant 0 : i32
    %c0_i32_0 = arith.constant 0 : i32
    return %arg0, %c0_i32 : i32, i32
  }
  func.func @transform_5(%arg0: i32) -> (i32, i32) {
    %c0_i32 = arith.constant 0 : i32
    %c0_i32_0 = arith.constant 0 : i32
    %c0_i32_1 = arith.constant 0 : i32
    return %c0_i32, %c0_i32_0 : i32, i32
  }
}

module attributes {stable_mosaic.version = 14 : i64} {
  func.func @_tc2_body(%arg0: i32, %arg1: memref<2000x64xf32, #tpu.memory_space<vmem>>, %arg2: memref<2x2000x64xf32, #tpu.memory_space<vmem>>, %arg3: memref<2000x1xi32, #tpu.memory_space<vmem>>, %arg4: memref<2000x1xf32, #tpu.memory_space<vmem>>, %arg5: memref<1x8xf32, #tpu.memory_space<vmem>>, %arg6: memref<64x64xf32, #tpu.memory_space<vmem>>, %arg7: memref<1x64xf32, #tpu.memory_space<vmem>>, %arg8: memref<1x64xf32, #tpu.memory_space<vmem>>, %arg9: memref<64x1xf32, #tpu.memory_space<vmem>>, %arg10: memref<1x1xf32, #tpu.memory_space<smem>>, %arg11: memref<2000x1xf32, #tpu.memory_space<vmem>>, %arg12: memref<1x8xf32, #tpu.memory_space<vmem>>) attributes {dimension_semantics = [#tpu.dimension_semantics<arbitrary>], iteration_bounds = array<i64: 5>, scalar_prefetch = 0 : i64, scratch_operands = 0 : i64, tpu.core_type = #tpu.core_type<tc>, window_params = [{transform_indices = @transform_0, window_bounds = array<i64: 2000, 64>}, {transform_indices = @transform_1, window_bounds = array<i64: 2, 2000, 64>}, {transform_indices = @transform_2, window_bounds = array<i64: 2000, 1>}, {transform_indices = @transform_3, window_bounds = array<i64: 2000, 1>}, {pipeline_mode = #tpu.pipeline_mode<synchronous>, transform_indices = @transform_4, window_bounds = array<i64: 1, 8>}, {pipeline_mode = #tpu.pipeline_mode<synchronous>, transform_indices = @transform_5, window_bounds = array<i64: 64, 64>}, {pipeline_mode = #tpu.pipeline_mode<synchronous>, transform_indices = @transform_6, window_bounds = array<i64: 1, 64>}, {pipeline_mode = #tpu.pipeline_mode<synchronous>, transform_indices = @transform_7, window_bounds = array<i64: 1, 64>}, {pipeline_mode = #tpu.pipeline_mode<synchronous>, transform_indices = @transform_8, window_bounds = array<i64: 64, 1>}, {transform_indices = @transform_9, window_bounds = array<i64: 1, 1>}, {transform_indices = @transform_10, window_bounds = array<i64: 2000, 1>}, {pipeline_mode = #tpu.pipeline_mode<synchronous>, transform_indices = @transform_11, window_bounds = array<i64: 1, 8>}]} {
    %get3A = arith.constant 0 : index
    %get3A_0 = arith.constant 0 : index
    %get3A_1 = vector.load %arg1[%get3A, %get3A_0] : memref<2000x64xf32, #tpu.memory_space<vmem>>, vector<2000x64xf32>
    %get3A_2 = arith.constant 0 : index
    %get3A_3 = arith.constant 0 : index
    %get3A_4 = arith.constant 0 : index
    %get3A_5 = vector.load %arg2[%get3A_2, %get3A_3, %get3A_4] : memref<2x2000x64xf32, #tpu.memory_space<vmem>>, vector<1x2000x64xf32>
    %get3A_6 = vector.shape_cast %get3A_5 : vector<1x2000x64xf32> to vector<2000x64xf32>
    %add3A = arith.addf %get3A_1, %get3A_6 : vector<2000x64xf32>
    %get3A_7 = arith.constant 1 : index
    %get3A_8 = arith.constant 0 : index
    %get3A_9 = arith.constant 0 : index
    %get3A_10 = vector.load %arg2[%get3A_7, %get3A_8, %get3A_9] : memref<2x2000x64xf32, #tpu.memory_space<vmem>>, vector<1x2000x64xf32>
    %get3A_11 = vector.shape_cast %get3A_10 : vector<1x2000x64xf32> to vector<2000x64xf32>
    %add3A_12 = arith.addf %add3A, %get3A_11 : vector<2000x64xf32>
    %convert_element_type3A = arith.truncf %add3A_12 : vector<2000x64xf32> to vector<2000x64xbf16>
    %get3A_13 = arith.constant 0 : index
    %get3A_14 = arith.constant 0 : index
    %get3A_15 = vector.load %arg6[%get3A_13, %get3A_14] : memref<64x64xf32, #tpu.memory_space<vmem>>, vector<64x64xf32>
    %convert_element_type3A_16 = arith.truncf %get3A_15 : vector<64x64xf32> to vector<64x64xbf16>
    %dot_general3A = arith.constant dense<0.000000e+00> : vector<2000x64xf32>
    %dot_general3A_17 = tpu.matmul %convert_element_type3A, %convert_element_type3A_16, %dot_general3A {dimension_numbers = #tpu.dot_dimension_numbers<[1], [0], [0], [1], [0, 0, 1, 1], [], []>, transpose_lhs_hint = false} : vector<2000x64xbf16>, vector<64x64xbf16>, vector<2000x64xf32> -> vector<2000x64xf32>
    %get3A_18 = arith.constant 0 : index
    %get3A_19 = arith.constant 0 : index
    %get3A_20 = vector.load %arg7[%get3A_18, %get3A_19] : memref<1x64xf32, #tpu.memory_space<vmem>>, vector<1x64xf32>
    %mul3A = vector.broadcast %get3A_20 : vector<1x64xf32> to vector<2000x64xf32>
    %mul3A_21 = arith.mulf %dot_general3A_17, %mul3A : vector<2000x64xf32>
    %get3A_22 = arith.constant 0 : index
    %get3A_23 = arith.constant 0 : index
    %get3A_24 = vector.load %arg8[%get3A_22, %get3A_23] : memref<1x64xf32, #tpu.memory_space<vmem>>, vector<1x64xf32>
    %add3A_25 = vector.broadcast %get3A_24 : vector<1x64xf32> to vector<2000x64xf32>
    %add3A_26 = arith.addf %mul3A_21, %add3A_25 : vector<2000x64xf32>
    %max3A = arith.constant 0.000000e+00 : f32
    %max3A_27 = vector.broadcast %max3A : f32 to vector<2000x64xf32>
    %max3A_28 = arith.maximumf %add3A_26, %max3A_27 : vector<2000x64xf32>
    %convert_element_type3A_29 = arith.truncf %max3A_28 : vector<2000x64xf32> to vector<2000x64xbf16>
    %get3A_30 = arith.constant 0 : index
    %get3A_31 = arith.constant 0 : index
    %get3A_32 = vector.load %arg9[%get3A_30, %get3A_31] : memref<64x1xf32, #tpu.memory_space<vmem>>, vector<64x1xf32>
    %convert_element_type3A_33 = arith.truncf %get3A_32 : vector<64x1xf32> to vector<64x1xbf16>
    %dot_general3A_34 = arith.constant dense<0.000000e+00> : vector<2000x1xf32>
    %dot_general3A_35 = tpu.matmul %convert_element_type3A_29, %convert_element_type3A_33, %dot_general3A_34 {dimension_numbers = #tpu.dot_dimension_numbers<[1], [0], [0], [1], [0, 0, 1, 1], [], []>, transpose_lhs_hint = false} : vector<2000x64xbf16>, vector<64x1xbf16>, vector<2000x1xf32> -> vector<2000x1xf32>
    %get3A_36 = arith.constant 0 : index
    %get3A_37 = arith.constant 0 : index
    %get3A_38 = memref.load %arg10[%get3A_36, %get3A_37] : memref<1x1xf32, #tpu.memory_space<smem>>
    %add3A_39 = vector.broadcast %get3A_38 : f32 to vector<2000x1xf32>
    %add3A_40 = arith.addf %dot_general3A_35, %add3A_39 : vector<2000x1xf32>
    %get3A_41 = arith.constant 0 : index
    %get3A_42 = arith.constant 0 : index
    %get3A_43 = vector.load %arg4[%get3A_41, %get3A_42] : memref<2000x1xf32, #tpu.memory_space<vmem>>, vector<2000x1xf32>
    %add3A_44 = arith.addf %get3A_43, %add3A_40 : vector<2000x1xf32>
    %swap3A = arith.constant 0 : index
    %swap3A_45 = arith.constant 0 : index
    %swap3A_46 = vector.load %arg11[%swap3A, %swap3A_45] : memref<2000x1xf32, #tpu.memory_space<vmem>>, vector<2000x1xf32>
    tpu.vector_store %arg11[%swap3A, %swap3A_45], %add3A_44 {strides = array<i32>} : memref<2000x1xf32, #tpu.memory_space<vmem>>, vector<2000x1xf32>,
    %iota3A = tpu.iota {dimensions = array<i32: 1>} : vector<2000x8xi32>
    %get3A_47 = arith.constant 0 : index
    %get3A_48 = arith.constant 0 : index
    %get3A_49 = vector.load %arg3[%get3A_47, %get3A_48] : memref<2000x1xi32, #tpu.memory_space<vmem>>, vector<2000x1xi32>
    %eq3A = vector.broadcast %get3A_49 : vector<2000x1xi32> to vector<2000x8xi32>
    %eq3A_50 = arith.cmpi eq, %eq3A, %iota3A : vector<2000x8xi32>
    %jit3A = arith.constant 0xFF800000 : f32
    %broadcast_in_dim3A = vector.shape_cast %add3A_40 : vector<2000x1xf32> to vector<2000x1xf32>
    %broadcast_in_dim3A_51 = vector.broadcast %broadcast_in_dim3A : vector<2000x1xf32> to vector<2000x8xf32>
    %broadcast_in_dim3A_52 = vector.broadcast %jit3A : f32 to vector<2000x8xf32>
    %select_n3A = arith.select %eq3A_50, %broadcast_in_dim3A_51, %broadcast_in_dim3A_52 : vector<2000x8xi1>, vector<2000x8xf32>
    %reduce_max3A = arith.constant dense<0xFF800000> : vector<8xf32>
    %reduce_max3A_53 = vector.multi_reduction <maximumf>, %select_n3A, %reduce_max3A [0] : vector<2000x8xf32> to vector<8xf32>
    %reshape3A = vector.shape_cast %reduce_max3A_53 : vector<8xf32> to vector<1x8xf32>
    %eq3A_54 = arith.constant 0 : i32
    %eq3A_55 = arith.cmpi eq, %arg0, %eq3A_54 : i32
    %broadcast_in_dim3A_56 = arith.constant 0xFF800000 : f32
    %broadcast_in_dim3A_57 = vector.broadcast %broadcast_in_dim3A_56 : f32 to vector<1x8xf32>
    %get3A_58 = arith.constant 0 : index
    %get3A_59 = arith.constant 0 : index
    %get3A_60 = vector.load %arg12[%get3A_58, %get3A_59] : memref<1x8xf32, #tpu.memory_space<vmem>>, vector<1x8xf32>
    %select_n3A_61 = arith.select %eq3A_55, %broadcast_in_dim3A_57, %get3A_60 : vector<1x8xf32>
    %max3A_62 = arith.maximumf %select_n3A_61, %reshape3A : vector<1x8xf32>
    %swap3A_63 = arith.constant 0 : index
    %swap3A_64 = arith.constant 0 : index
    %swap3A_65 = vector.load %arg12[%swap3A_63, %swap3A_64] : memref<1x8xf32, #tpu.memory_space<vmem>>, vector<1x8xf32>
    tpu.vector_store %arg12[%swap3A_63, %swap3A_64], %max3A_62 {strides = array<i32>} : memref<1x8xf32, #tpu.memory_space<vmem>>, vector<1x8xf32>,
    %eq3A_66 = arith.constant 4 : i32
    %eq3A_67 = arith.cmpi eq, %arg0, %eq3A_66 : i32
    %convert_element_type3A_68 = arith.extui %eq3A_67 : i1 to i32
    %cond3A = arith.constant 0 : i32
    %cond3A_69 = arith.cmpi ne, %convert_element_type3A_68, %cond3A : i32
    scf.if %cond3A_69 {
      %get3A_70 = arith.constant 0 : index
      %get3A_71 = arith.constant 0 : index
      %get3A_72 = vector.load %arg5[%get3A_70, %get3A_71] : memref<1x8xf32, #tpu.memory_space<vmem>>, vector<1x8xf32>
      %add3A_73 = arith.addf %max3A_62, %get3A_72 : vector<1x8xf32>
      %swap3A_74 = arith.constant 0 : index
      %swap3A_75 = arith.constant 0 : index
      %swap3A_76 = vector.load %arg12[%swap3A_74, %swap3A_75] : memref<1x8xf32, #tpu.memory_space<vmem>>, vector<1x8xf32>
      tpu.vector_store %arg12[%swap3A_74, %swap3A_75], %add3A_73 {strides = array<i32>} : memref<1x8xf32, #tpu.memory_space<vmem>>, vector<1x8xf32>,
    } else {
    }
    return
  }
  func.func @transform_0(%arg0: i32) -> (i32, i32) {
    %c0_i32 = arith.constant 0 : i32
    %c0_i32_0 = arith.constant 0 : i32
    return %arg0, %c0_i32 : i32, i32
  }
  func.func @transform_1(%arg0: i32) -> (i32, i32, i32) {
    %c0_i32 = arith.constant 0 : i32
    %c0_i32_0 = arith.constant 0 : i32
    %c0_i32_1 = arith.constant 0 : i32
    return %c0_i32, %arg0, %c0_i32_0 : i32, i32, i32
  }
  func.func @transform_2(%arg0: i32) -> (i32, i32) {
    %c0_i32 = arith.constant 0 : i32
    %c0_i32_0 = arith.constant 0 : i32
    return %arg0, %c0_i32 : i32, i32
  }
  func.func @transform_3(%arg0: i32) -> (i32, i32) {
    %c0_i32 = arith.constant 0 : i32
    %c0_i32_0 = arith.constant 0 : i32
    return %arg0, %c0_i32 : i32, i32
  }
  func.func @transform_4(%arg0: i32) -> (i32, i32) {
    %c0_i32 = arith.constant 0 : i32
    %c0_i32_0 = arith.constant 0 : i32
    %c0_i32_1 = arith.constant 0 : i32
    return %c0_i32, %c0_i32_0 : i32, i32
  }
  func.func @transform_5(%arg0: i32) -> (i32, i32) {
    %c0_i32 = arith.constant 0 : i32
    %c0_i32_0 = arith.constant 0 : i32
    %c0_i32_1 = arith.constant 0 : i32
    return %c0_i32, %c0_i32_0 : i32, i32
  }
  func.func @transform_6(%arg0: i32) -> (i32, i32) {
    %c0_i32 = arith.constant 0 : i32
    %c0_i32_0 = arith.constant 0 : i32
    %c0_i32_1 = arith.constant 0 : i32
    return %c0_i32, %c0_i32_0 : i32, i32
  }
  func.func @transform_7(%arg0: i32) -> (i32, i32) {
    %c0_i32 = arith.constant 0 : i32
    %c0_i32_0 = arith.constant 0 : i32
    %c0_i32_1 = arith.constant 0 : i32
    return %c0_i32, %c0_i32_0 : i32, i32
  }
  func.func @transform_8(%arg0: i32) -> (i32, i32) {
    %c0_i32 = arith.constant 0 : i32
    %c0_i32_0 = arith.constant 0 : i32
    %c0_i32_1 = arith.constant 0 : i32
    return %c0_i32, %c0_i32_0 : i32, i32
  }
  func.func @transform_9(%arg0: i32) -> (i32, i32) {
    %c0_i32 = arith.constant 0 : i32
    %c0_i32_0 = arith.constant 0 : i32
    %c0_i32_1 = arith.constant 0 : i32
    return %c0_i32, %c0_i32_0 : i32, i32
  }
  func.func @transform_10(%arg0: i32) -> (i32, i32) {
    %c0_i32 = arith.constant 0 : i32
    %c0_i32_0 = arith.constant 0 : i32
    return %arg0, %c0_i32 : i32, i32
  }
  func.func @transform_11(%arg0: i32) -> (i32, i32) {
    %c0_i32 = arith.constant 0 : i32
    %c0_i32_0 = arith.constant 0 : i32
    %c0_i32_1 = arith.constant 0 : i32
    return %c0_i32, %c0_i32_0 : i32, i32
  }
}

</mosaic_0001>

<sc_bundles>
// kernel: kernel.6.cloned.1.call-start
scs
__scs_entry_jumppad:
0x0: {  	(pc) =	sbr.rel $0x88, $3  }
0x1: {  	(tag) =	ssettag $0x0;
	lr =	simm.s32 $0x1  }
0x2: {  	[smem:$0x3F92] =	sst lr;
	_ =	strace $0xD0000000  }
0x3: {  	_ = 	snop  }
0x4: {  	_ = 	snop  }
0x5: {  	_ = 	snop  }
0x6: {  	_ = 	snop  }
0x7: {  	_ = 	snop  }
__scs_overlays_trampoline_lowered:
0x8: {  	[smem:$0x3FA1] =	sst s0  }
0x9: {  	[smem:$0x3FA2] =	sst s1  }
0xa: {  	[smem:$0x3FA3] =	sst s2  }
0xb: {  	[smem:$0x3FA4] =	sst s3  }
0xc: {  	[smem:$0x3FA5] =	sst s4  }
0xd: {  	[smem:$0x3FA6] =	sst s5  }
0xe: {  	[smem:$0x3FA7] =	sst s6  }
0xf: {  	[smem:$0x3FA8] =	sst s7  }
0x10: {  	[smem:$0x3FA9] =	sst s8  }
0x11: {  	[smem:$0x3FAA] =	sst s9;
	s0 =	simm.s32 @!p0 $0x0  }
0x12: {  	s1 =	sld [smem:$0x3F90];
	s0 =	simm.s32 @p0 $0x1  }
0x13: {  	[smem:$0x3FAB] =	sst s0;
	s0 =	simm.s32 @!p1 $0x0  }
0x14: {  	s2 =	sld [smem:$0x3F8F];
	s0 =	simm.s32 @p1 $0x1  }
0x15: {  	[smem:$0x3FAC] =	sst s0;
	s0 =	simm.s32 @!p2 $0x0  }
0x16: {  	s3 =	sld [smem:$0x3FDB];
	s0 =	simm.s32 @p2 $0x1  }
0x17: {  	s4 =	simm.s32 $0x1BF5;
	[smem:$0x3FAE] =	sst s0  }
0x18: {  	s0 =	sld [smem:$0x3F91];
	_ =	swait.ge [sflag:s4], $0x0  }
0x19: {  	s7 =	sld [smem:$0x3F92]  }
0x1a: {  	s8 =	sadd.s32 $0xFFFFE003, lr  }
0x1b: {  	s9 =	sadd.s32 $0xFFFFFEF7, lr;
	s5 =	simm.s32 $0xFFFFFFFF;
	p2 =	slt.u32 s8, $0xFFFFF086  }
0x1c: {  	p1 =	slt.u32 s9, $0xF7A;
	s5 =	simm.s32 @!p2 $0x0  }
0x1d: {  	s5 =	simm.s32 @p1 $0x1;
	p0 =	seq.s32 s7, s2  }
0x1e: {  	s7 =	smul.u32 @!p0 $0xF7A, s2;
	p2 =	seq.s32 @!p0 s5, $0x0  }
0x1f: {  	s9 =	smul.u32 $0xF7A, s1;
	s8 =	simm.s32 @!p0 $0x1BF5;
	p2 =	por !p2, p0  }
0x20: {  	[sflag:s8] =	ssyncset.s32 @!p0 $0xFFFFF086;
	s6 =	sadd.s32 @!p0 s3, s7;
	s7 =	simm.s32 @!p0 $0x108  }
0x21: {  	s3 =	sadd.s32 s3, s9;
	s6 =	sadd.s32 @!p0 $0x88, s6;
	s7 =	simm.s32 @p2 $0x1082  }
0x22: {  	[simem:s7], [sflag:s8] =	dma.local @!p0 [hbm:s6], $0xF7A  }
0x23: {  	s9 =	sor.u32 $0xD0000000, s2;
	s6 =	simm.s32 $0x108;
	_ =	swait.ge @!p0 [sflag:s8], $0x0  }
0x24: {  	s3 =	sadd.s32 $0x88, s3;
	s6 =	simm.s32 @!p1 $0x1082;
	[sflag:s4] =	ssyncset.s32 $0xFFFFF086  }
0x25: {  	[simem:s6], [sflag:s4] =	dma.local [hbm:s3], $0xF7A  }
0x26: {  	[smem:$0x3F92] =	sst s1;
	(tag) =	ssettag s2;
	_ =	strace s9  }
0x27: {  	s1 =	sld [smem:$0x3FA2]  }
0x28: {  	s2 =	sld [smem:$0x3FA3]  }
0x29: {  	s4 =	sld [smem:$0x3FA5]  }
0x2a: {  	p0 =	seq.s32 s5, $0x0;
	s5 =	sld [smem:$0x3FA6]  }
0x2b: {  	s6 =	sld [smem:$0x3FA7]  }
0x2c: {  	s7 =	sld [smem:$0x3FA8]  }
0x2d: {  	s3 =	simm.s32 $0x108;
	s8 =	sld [smem:$0x3FA9]  }
0x2e: {  	s3 =	simm.s32 @!p0 $0x1082;
	s9 =	sld [smem:$0x3FAA]  }
0x2f: {  	lr =	sadd.s32 s0, s3;
	s0 =	sld [smem:$0x3FA1]  }
0x30: {  	s3 =	sld [smem:$0x3FA4]  }
0x31: {  	[smem:$0x3FAD] =	sst s10  }
0x32: {  	s10 =	sld [smem:$0x3FAB];
	_ =	sdelay $0x3  }
0x33: {  	p0 =	seq.s32 s10, $0x1;
	s10 =	sld [smem:$0x3FAD];
	_ =	sdelay $0x3  }
0x34: {  	[smem:$0x3FAD] =	sst s10  }
0x35: {  	s10 =	sld [smem:$0x3FAC];
	_ =	sdelay $0x3  }
0x36: {  	p1 =	seq.s32 s10, $0x1;
	s10 =	sld [smem:$0x3FAD];
	_ =	sdelay $0x3  }
0x37: {  	[smem:$0x3FAD] =	sst s10  }
0x38: {  	s10 =	sld [smem:$0x3FAE]  }
0x39: {  	_ = 	snop;
	(pc) =	sbr.ind lr, $3  }
0x3a: {  	_ = 	snop  }
0x3b: {  	_ = 	snop  }
0x3c: {  	p2 =	seq.s32 s10, $0x1;
	s10 =	sld [smem:$0x3FAD]  }
0x3d: {  	_ =	shalt  }
0x3e: {  	_ =	shalt  }
0x3f: {  	_ =	shalt  }
0x40: {  	_ =	shalt  }
0x41: {  	_ =	shalt  }
0x42: {  	_ =	shalt  }
0x43: {  	_ =	shalt  }
0x44: {  	_ =	shalt  }
0x45: {  	_ =	shalt  }
0x46: {  	_ =	shalt  }
0x47: {  	_ =	shalt  }
0x48: {  	_ =	shalt  }
0x49: {  	_ =	shalt  }
0x4a: {  	_ =	shalt  }
0x4b: {  	_ =	shalt  }
0x4c: {  	_ =	shalt  }
0x4d: {  	_ =	shalt  }
0x4e: {  	_ =	shalt  }
0x4f: {  	_ =	shalt  }
0x50: {  	_ =	shalt  }
0x51: {  	_ =	shalt  }
0x52: {  	_ =	shalt  }
0x53: {  	_ =	shalt  }
0x54: {  	_ =	shalt  }
0x55: {  	_ =	shalt  }
0x56: {  	_ =	shalt  }
0x57: {  	_ =	shalt  }
0x58: {  	_ =	shalt  }
0x59: {  	_ =	shalt  }
0x5a: {  	_ =	shalt  }
0x5b: {  	_ =	shalt  }
0x5c: {  	_ =	shalt  }
0x5d: {  	_ =	shalt  }
0x5e: {  	_ =	shalt  }
0x5f: {  	_ =	shalt  }
0x60: {  	_ =	shalt  }
0x61: {  	_ =	shalt  }
0x62: {  	_ =	shalt  }
0x63: {  	_ =	shalt  }
0x64: {  	_ =	shalt  }
0x65: {  	_ =	shalt  }
0x66: {  	_ =	shalt  }
0x67: {  	_ =	shalt  }
0x68: {  	_ =	shalt  }
0x69: {  	_ =	shalt  }
0x6a: {  	_ =	shalt  }
0x6b: {  	_ =	shalt  }
0x6c: {  	_ =	shalt  }
0x6d: {  	_ =	shalt  }
0x6e: {  	_ =	shalt  }
0x6f: {  	_ =	shalt  }
0x70: {  	_ =	shalt  }
0x71: {  	_ =	shalt  }
0x72: {  	_ =	shalt  }
0x73: {  	_ =	shalt  }
0x74: {  	_ =	shalt  }
0x75: {  	_ =	shalt  }
0x76: {  	_ =	shalt  }
0x77: {  	_ =	shalt  }
0x78: {  	_ =	shalt  }
0x79: {  	_ =	shalt  }
0x7a: {  	_ =	shalt  }
0x7b: {  	_ =	shalt  }
0x7c: {  	_ =	shalt  }
0x7d: {  	_ =	shalt  }
0x7e: {  	_ =	shalt  }
0x7f: {  	_ =	shalt  }
0x80: {  	_ =	shalt  }
0x81: {  	_ =	shalt  }
0x82: {  	_ =	shalt  }
0x83: {  	_ =	shalt  }
0x84: {  	_ =	shalt  }
0x85: {  	_ =	shalt  }
0x86: {  	_ =	shalt  }
0x87: {  	_ =	shalt  }
.Lfunc_end0:
.L_simem_size_0:
called_computation_lowered:
.L_overlay_start_0:
0x88: {  	s2 =	sld [smem:$0x3FD9]  }
0x89: {  	s3 =	sld [smem:$0x3FFE];
	_ =	sdelay $0x1  }
0x8a: {  	s1 =	srdreg.scid  }
0x8b: {  	s0 =	sand.u32 $0x1, s1  }
0x8c: {  	s16 =	sshll.u32 s0, $0xA;
	s2 =	sadd.s32 s3, s2  }
0x8d: {  	s2 =	sadd.s32 s2, s16  }
0x8e: {  	[smem:$0x3FB9] =	sst s2  }
0x8f: {  	_ = 	snop  }
0x90: {  	(tm) =	ssettm $0x1  }
0x91: {  	s17 =	sld [smem:$0x3FFB];
	_ =	sdelay $0x3  }
0x92: {  	_ =	strace s17  }
0x93: {  	s2 =	sld [smem:$0x3FFC];
	_ =	sdelay $0x3  }
0x94: {  	_ =	strace s2  }
0x95: {  	s2 =	sld [smem:$0x3FFD];
	_ =	sdelay $0x3  }
0x96: {  	_ =	strace s2  }
0x97: {  	_ =	strace $0x8FFFFFFF  }
0x98: {  	s18 =	sld [smem:$0x3FDB];
	_ =	sdelay $0x1  }
0x99: {  	s19 =	simm.s32 $_scs_section_size  }
0x9a: {  	s4 =	simm.s32 $_size__tile_overlayer_lowered;
	s5 =	simm.s32 $_tile_overlayer_lowered  }
0x9b: {  	s22 =	simm.s32 $0x1BFF;
	s21 =	sshll.u32 s5, $0x1;
	s2 =	sadd.s32 s19, s18  }
0x9c: {  	s6 =	simm.s32 $0x0;
	s20 =	sshll.u32 s4, $0x1;
	s4 =	sadd.s32 s21, s2  }
0x9d: {  	[timem:s6], [sflag:s22] =	dma.local [hbm:s4], s20  }
0x9e: {  	_ =	swait.ge [sflag:s22], s20  }
0x9f: {  	s3 =	ssub.s32 $0x0, s20;
	[sflag:s22] =	ssyncset.done $0x0  }
0xa0: {  	[sflag:s22] =	ssyncadd.s32 s3;
	_ =	sdelay $0x1  }
0xa1: {  	s23 =	simm.s32 $0x1B8B  }
0xa2: {  	_ =	swait.ge [sflag:s23], $0x1  }
0xa3: {  	[sflag:s23] =	ssyncset.done $0x0  }
0xa4: {  	s25 =	simm.s32 $0x1B8E;
	s24 =	sld [smem:$0x3FFE];
	[sflag:s23] =	ssyncadd.s32 $0xFFFFFFFF  }
0xa5: {  	s26 =	simm.s32 $execute0_lowered;
	[smem:$0x3FD2] =	sst s25  }
0xa6: {  	s4 =	sshll.u32 s26, $0x1;
	_ =	strace $0x80000046;
	[dreg:$0x1] =	wrdreg $0xFFFFFFFF  }
0xa7: {  	s28 =	simm.s32 $_size_execute0_lowered;
	s2 =	sadd.s32 s2, s4;
	[dreg:$0x0] =	wrdreg $0x0  }
0xa8: {  	s4 =	sshll.u32 s28, $0x1;
	[dreg:$0x2] =	wrdreg s2  }
0xa9: {  	[dreg:$0x3] =	wrdreg s4  }
0xaa: {  	[dreg:$0x4] =	wrdreg $0xC0  }
0xab: {  	_ =	task [dreg:s6], $0x5FFFF  }
0xac: {  	[dreg:$0x1] =	wrdreg $0xFFFFFFFF  }
0xad: {  	[dreg:$0x0] =	wrdreg $0x60  }
0xae: {  	[dreg:$0x2] =	wrdreg s24  }
0xaf: {  	[dreg:$0x3] =	wrdreg $0x112200  }
0xb0: {  	[dreg:$0x4] =	wrdreg $0x9  }
0xb1: {  	_ =	task.clear_ibuf [dreg:s6], $0x5FFFF;
	_ =	strace $0x90000046  }
0xb2: {  	s29 =	simm.s32 $0x9;
	_ =	strace $0x80000048  }
0xb3: {  	_ =	swait.ge [sflag:s29], $0x1  }
0xb4: {  	[sflag:s29] =	ssyncadd.s32 $0xFFFFFFFF  }
0xb5: {  	_ =	strace $0x90000048  }
0xb6: {  	_ =	sfence  }
0xb7: {  	s30 =	sld [smem:$0x0];
	_ =	sdelay $0x2  }
0xb8: {  	s31 =	sshll.u32 s1, $0xD;
	s1 =	sshrl.u32 s1, $0x2  }
0xb9: {  	s3 =	sand.u32 $0x4000, s31;
	s1 =	sadd.s32 s1, s30  }
0xba: {  	s0 =	sor.u32 s3, s0;
	s1 =	sshll.u32 s1, $0x11  }
0xbb: {  	s0 =	sor.u32 s1, s0  }
0xbc: {  	s0 =	sadd.s32 $0x8F2B, s0  }
0xbd: {  	[sflag:s0] =	ssyncadd.remote.s32 $0x1  }
0xbe: {  	_ =	sfence.sel $0xFFFF  }
0xbf: {  	[dreg:$0x0] =	wrdreg $0xFFFFFFFF;
	(pc) =	sbr.abs _section_cstart, $3  }
0xc0: {  	[dreg:$0x1] =	wrdreg $0xFFFFFFFF  }
0xc1: {  	_ =	task.clear_ibuf [dreg:s6], $0x2FFFF;
	_ =	strace $0x9FFFFFFF  }
0xc2: {  	(tm) =	ssettm $0x7FFFFFFF  }
0xc3: {  	_ =	shalt  }
tec
execute0_lowered:
.L_overlay_start_1:
0x0: {  	(tag) =	ssettag $0x1  }
0x1: {  	s5 =	rddreg [dreg:$0x0];
	s0 =	srdreg.scid  }
0x2: {  	s12 =	stileid.u32;
	s1 =	rddreg [dreg:$0x1]  }
0x3: {  	s2 =	simm.s32 $0x0;
	s15 =	simm.s32 $0x50;
	s16 =	simm.s32 $0x4E20  }
0x4: {  	s17 =	simm.s32 $0x1;
	s18 =	simm.s32 $0x6220;
	s19 =	simm.s32 $0x2  }
0x5: {  	s20 =	simm.s32 $0x4DD0;
	s6 =	sand.u32 $0x1, s0;
	s0 =	rddreg [dreg:$0x2]  }
0x6: {  	s21 =	simm.s32 $0x0;
	s3 =	sshll.u32 s12, $0x1;
	[smem:$0x7FF] =	sst s2  }
0x7: {  	s9 =	smul.u32 $0x9C00, s12;
	s13 =	sadd.s32 $0x2A400, s5;
	p0 =	sne.s32 s12, $0x0  }
0x8: {  	s12 =	simm.s32 $0x7620;
	s3 =	sor.u32 s6, s3;
	s11 =	smul.u32 $0x9C400, s6  }
0x9: {  	_ =	strace $0x80000047;
	s7 =	ssub.s32 $0x2, s6;
	s4 =	smul.u32 $0x4E2, s3  }
0xa: {  	s6 =	sadd.s32 $0x9C000, s1;
	s3 =	sadd.s32 $0x15600, s5;
	s10 =	sshrl.u32 s7, $0x1  }
0xb: {  	s14 =	ssub.s32 s7, s10;
	s31 =	sshrl.u32 s11, $0x3;
	s8 =	sadd.s32 s4, s5  }
0xc: {  	s4 =	sadd.s32 $0x29000, s5;
	s5 =	sadd.s32 s9, s1;
	s9 =	sadd.s32 s9, s11  }
0xd: {  	s10 =	sadd.s32 s13, s31;
	s11 =	smax.u32 s14, $0x1;
	s14 =	simm.s32 $0x2710  }
0xe: {  	s7 =	sadd.s32 $0xB800, s8;
	s9 =	sshrl.u32 s9, $0x3;
	s8 =	sadd.s32 $0x1A00, s8  }
0xf: {  	s10 =	sadd.s32 $0x13800, s10;
	s9 =	sadd.s32 s13, s9;
	s13 =	simm.s32 $0x3  }
.LBB2_1:
0x10: {  	[tilespmem:s12], [sflag:$0x3] =	stream.linear.gather [hbm4b:s4+s2], $0x9C00, $0x38;
	[tilespmem:$0x1AE60] =	vst v63  }
0x11: {  	_ =	swait.ge [sflag:s13], $0x9C00  }
0x12: {  	[sflag:s13] =	ssyncset.done $0x0  }
0x13: {  	[sflag:s13] =	ssyncadd.s32 $0xFFFF6400  }
0x14: {  	[spmem:s5] =	stream.linear.scatter [tilespmem:s12], [sflag:$0x3], $0x9C00, $0x38;
	[tilespmem:$0x1AE60] =	vst v63  }
0x15: {  	_ =	swait.ge [sflag:s13], $0x9C00  }
0x16: {  	[sflag:s13] =	ssyncset.done $0x0  }
0x17: {  	s22 =	simm.s32 @!p0 $0x7620;
	[sflag:s13] =	ssyncadd.s32 $0xFFFF6400  }
0x18: {  	[spmem:s6] =	stream.linear.scatter @!p0 [tilespmem:s22], [sflag:$0x3], $0x400, $0x38;
	[tilespmem:$0x1AE60] =	vst v63  }
0x19: {  	s22 =	simm.s32 @!p0 $0x3  }
0x1a: {  	_ =	swait.ge @!p0 [sflag:s22], $0x400  }
0x1b: {  	[sflag:s22] =	ssyncset.done @!p0 $0x0  }
0x1c: {  	[sflag:s22] =	ssyncadd.s32 @!p0 $0xFFFFFC00  }
0x1d: {  	[bflag:$0x0] =	sbarrier.arrive $0xFFFF  }
0x1e: {  	[tilespmem:s2], [sflag:$0x3] =	stream.linear.gather [hbm4b:s7+s2], $0x2710, $0x38;
	[tilespmem:$0x1AE60] =	vst v63  }
0x1f: {  	_ =	swait.ge [sflag:s13], $0x2710  }
0x20: {  	[sflag:s13] =	ssyncset.done $0x0  }
0x21: {  	[sflag:s13] =	ssyncadd.s32 $0xFFFFD8F0  }
0x22: {  	[tilespmem:s14], [sflag:$0x3] =	stream.linear.gather [hbm4b:s8+s2], $0x2710, $0x38;
	[tilespmem:$0x1AE60] =	vst v63  }
0x23: {  	_ =	swait.ge [sflag:s13], $0x2710  }
0x24: {  	[sflag:s13] =	ssyncset.done $0x0  }
0x25: {  	[sflag:s13] =	ssyncadd.s32 $0xFFFFD8F0  }
0x26: {  	[tilespmem:s16], [sflag:$0x1] =	stream.indirect.gather [hbm4b:s3+s15], $0x40, s2, s15, $0xb8;
	[tilespmem:$0x1AE60] =	vst v63  }
0x27: {  	_ =	swait.ge [sflag:s17], $0x1400  }
0x28: {  	[sflag:s17] =	ssyncset.done $0x0  }
0x29: {  	s28 =	simm.s32 $0x50;
	[sflag:s17] =	ssyncadd.s32 $0xFFFFEC00  }
0x2a: {  	[tilespmem:s18], [sflag:$0x2] =	stream.indirect.gather [hbm4b:s3+s15], $0x40, s28, s15, $0xb8;
	[tilespmem:$0x1AE60] =	vst v63  }
0x2b: {  	s29 =	simm.s32 $0x2710  }
0x2c: {  	[spmem:s1] =	stream.indirect.scatter.add.f32 [tilespmem:s16], [sflag:$0x3], $0x40, s29, s15, $0xb8;
	[tilespmem:$0x1AE60] =	vst v63  }
0x2d: {  	_ =	swait.ge [sflag:s13], $0x1400  }
0x2e: {  	[sflag:s13] =	ssyncset.done $0x0  }
0x2f: {  	[sflag:s13] =	ssyncadd.s32 $0xFFFFEC00  }
0x30: {  	_ =	swait.ge [sflag:s19], $0x1400  }
0x31: {  	[sflag:s19] =	ssyncset.done $0x0  }
0x32: {  	s30 =	simm.s32 $0xA0;
	[sflag:s19] =	ssyncadd.s32 $0xFFFFEC00  }
0x33: {  	[tilespmem:s16], [sflag:$0x1] =	stream.indirect.gather [hbm4b:s3+s15], $0x40, s30, s15, $0xb8;
	[tilespmem:$0x1AE60] =	vst v63  }
0x34: {  	s31 =	simm.s32 $0x2760  }
0x35: {  	[spmem:s1] =	stream.indirect.scatter.add.f32 [tilespmem:s18], [sflag:$0x3], $0x40, s31, s15, $0xb8;
	[tilespmem:$0x1AE60] =	vst v63  }
0x36: {  	_ =	swait.ge [sflag:s13], $0x1400  }
0x37: {  	s22 =	simm.s32 $0x280;
	[sflag:s13] =	ssyncset.done $0x0  }
.LBB2_2:
0x38: {  	p1 =	sne.s32 s22, $0x9880  }
0x39: {  	[sflag:s13] =	ssyncadd.s32 $0xFFFFEC00;
	s23 =	smov.u32 s22;
	s22 =	sadd.s32 $0x280, s22  }
0x3a: {  	_ = 	snop  }
0x3b: {  	_ =	swait.ge [sflag:s17], $0x1400  }
0x3c: {  	s23 =	sshra.s32 s23, $0x2;
	[sflag:s17] =	ssyncset.done $0x0  }
0x3d: {  	s24 =	sadd.s32 $0x50, s23;
	[sflag:s17] =	ssyncadd.s32 $0xFFFFEC00  }
0x3e: {  	[tilespmem:s18], [sflag:$0x2] =	stream.indirect.gather [hbm4b:s3+s15], $0x40, s24, s15, $0xb8;
	[tilespmem:$0x1AE60] =	vst v63  }
0x3f: {  	s24 =	sadd.s32 $0x2710, s23  }
0x40: {  	[spmem:s1] =	stream.indirect.scatter.add.f32 [tilespmem:s16], [sflag:$0x3], $0x40, s24, s15, $0xb8;
	[tilespmem:$0x1AE60] =	vst v63  }
0x41: {  	_ =	swait.ge [sflag:s13], $0x1400  }
0x42: {  	[sflag:s13] =	ssyncset.done $0x0  }
0x43: {  	[sflag:s13] =	ssyncadd.s32 $0xFFFFEC00  }
0x44: {  	_ =	swait.ge [sflag:s19], $0x1400  }
0x45: {  	[sflag:s19] =	ssyncset.done $0x0  }
0x46: {  	s24 =	sadd.s32 $0xA0, s23;
	[sflag:s19] =	ssyncadd.s32 $0xFFFFEC00  }
0x47: {  	[tilespmem:s16], [sflag:$0x1] =	stream.indirect.gather [hbm4b:s3+s15], $0x40, s24, s15, $0xb8;
	[tilespmem:$0x1AE60] =	vst v63  }
.Ltmp0:
0x48: {  	_ = 	snop;
	(pc) =	sbr.rel @p1 .LBB2_2-.Ltmp0, $4  }
0x49: {  	s23 =	sadd.s32 $0x2760, s23  }
0x4a: {  	[spmem:s1] =	stream.indirect.scatter.add.f32 [tilespmem:s18], [sflag:$0x3], $0x40, s23, s15, $0xb8;
	[tilespmem:$0x1AE60] =	vst v63  }
0x4b: {  	_ =	swait.ge [sflag:s13], $0x1400  }
0x4c: {  	[sflag:s13] =	ssyncset.done $0x0  }
0x4d: {  	[sflag:s13] =	ssyncadd.s32 $0xFFFFEC00  }
0x4e: {  	_ =	swait.ge [sflag:s17], $0x1400  }
0x4f: {  	[sflag:s17] =	ssyncset.done $0x0  }
0x50: {  	[sflag:s17] =	ssyncadd.s32 $0xFFFFEC00  }
0x51: {  	[spmem:s1] =	stream.indirect.scatter.add.f32 [tilespmem:s16], [sflag:$0x3], $0x40, s20, s15, $0xb8;
	[tilespmem:$0x1AE60] =	vst v63  }
0x52: {  	_ =	swait.ge [sflag:s13], $0x1400  }
0x53: {  	[sflag:s13] =	ssyncset.done $0x0  }
0x54: {  	[sflag:s13] =	ssyncadd.s32 $0xFFFFEC00  }
0x55: {  	[bflag:$0x0] =	sbarrier.arrive $0xFFFF  }
0x56: {  	[tilespmem:s12], [sflag:$0x3] =	stream.linear.gather [spmem:s5], $0x9C00, $0x38;
	[tilespmem:$0x1AE60] =	vst v63  }
0x57: {  	_ =	swait.ge [sflag:s13], $0x9C00  }
0x58: {  	[sflag:s13] =	ssyncset.done $0x0  }
0x59: {  	[sflag:s13] =	ssyncadd.s32 $0xFFFF6400  }
0x5a: {  	[hbm4b:s9+s2] =	stream.linear.scatter [tilespmem:s12], [sflag:$0x3], $0x9C00, $0x38;
	[tilespmem:$0x1AE60] =	vst v63  }
0x5b: {  	_ =	swait.ge [sflag:s13], $0x9C00  }
0x5c: {  	[sflag:s13] =	ssyncset.done $0x0  }
0x5d: {  	s22 =	simm.s32 @!p0 $0x7620;
	s23 =	simm.s32 @!p0 $0x3;
	[sflag:s13] =	ssyncadd.s32 $0xFFFF6400  }
0x5e: {  	[tilespmem:s22], [sflag:$0x3] =	stream.linear.gather @!p0 [spmem:s6], $0x400, $0x38;
	[tilespmem:$0x1AE60] =	vst v63  }
0x5f: {  	s21 =	sadd.s32 $0x1, s21;
	_ =	swait.ge @!p0 [sflag:s23], $0x400  }
0x60: {  	p1 =	sne.s32 s21, s11;
	[sflag:s23] =	ssyncset.done @!p0 $0x0  }
.Ltmp1:
0x61: {  	s24 =	simm.s32 @!p0 $0x0;
	[sflag:s23] =	ssyncadd.s32 @!p0 $0xFFFFFC00;
	(pc) =	sbr.rel @p1 .LBB2_1-.Ltmp1, $4  }
0x62: {  	[hbm4b:s10+s24] =	stream.linear.scatter @!p0 [tilespmem:s22], [sflag:$0x3], $0x400, $0x38;
	[tilespmem:$0x1AE60] =	vst v63  }
0x63: {  	_ =	swait.ge @!p0 [sflag:s23], $0x400  }
0x64: {  	[sflag:s23] =	ssyncset.done @!p0 $0x0  }
0x65: {  	[sflag:s23] =	ssyncadd.s32 @!p0 $0xFFFFFC00  }
0x66: {  	_ =	sfence.sel $0x180000  }
0x67: {  	[bflag:$0x0] =	sbarrier.arrive $0xFFFF  }
0x68: {  	_ =	strace $0x90000047  }
0x69: {  	s0 =	sadd.s32 @!p0 $0x100000, s0;
	[bflag:$0x2] =	sbarrier.arrive $0xFFFF  }
0x6a: {  	[sflag:s0] =	ssyncadd.tile.s32 @!p0 $0x1;
	_ =	shalt  }
.Lfunc_end2:
_tile_overlayer_lowered:
.L_overlay_start_2:
0x6b: {  	(tag) =	ssettag $0x2  }
0x6c: {  	s0 =	rddreg [dreg:$0x0];
	s2 =	stileid.u32  }
0x6d: {  	s1 =	rddreg [dreg:$0x1];
	p0 =	sne.s32 s2, $0x0  }
0x6e: {  	s3 =	rddreg [dreg:$0x2];
	[bflag:$0x3] =	sbarrier.arrive $0xFFFF;
	s2 =	simm.s32 @!p0 $0x1C03  }
0x6f: {  	[timem:s3], [sflag:s2] =	dma.local @!p0 [hbm:s0], s1  }
0x70: {  	s0 =	simm.s32 @!p0 $0x3  }
0x71: {  	_ =	swait.ge @!p0 [sflag:s0], s1  }
0x72: {  	s1 =	ssub.s32 @!p0 $0x0, s1;
	[sflag:s0] =	ssyncset.done @!p0 $0x0  }
0x73: {  	[sflag:s0] =	ssyncadd.s32 @!p0 s1  }
0x74: {  	[bflag:$0x3] =	sbarrier.arrive $0xFFFF  }
0x75: {  	_ =	shalt  }

</sc_bundles>
